<compile_context>
chip_gen: v7x
topology: tpu7x:2x2x1
jax: 0.10.2.dev20260603
libtpu: 0.0.44.dev20260713+nightly
codegen_flags: <defaults>
</compile_context>

<pallas_src>
import functools

import jax
import jax.numpy as jnp
from jax import lax
from jax.experimental import pallas as pl
from jax.experimental.pallas import tpu as pltpu
from jax.experimental.pallas import tpu_sc as plsc

N = 10000
E = 320000
D = 128
NC, NS = 2, 16
NW = NC * NS
B = 64
CHB = 40
NB = 160
NBUF = 4
EPW = NB * B
EPAD = NW * EPW
N2 = 10240
DUMMY = N2 - 1
RPT = N2 // NS
LANES = 16
EC = 2000
HI = N2 // D


def _sc_segment_sum(src_idx, dst_idx, x):
    mesh = plsc.VectorSubcoreMesh(core_axis_name="c", subcore_axis_name="s")

    @functools.partial(
        pl.kernel,
        out_type=jax.ShapeDtypeStruct((NC, N2, D), jnp.float32),
        mesh=mesh,
        scratch_types=[
            pltpu.VMEM((CHB, B), jnp.int32),
            pltpu.VMEM((CHB, B), jnp.int32),
            pltpu.VMEM((B, D), jnp.float32),
            pltpu.VMEM((B, D), jnp.float32),
            pltpu.VMEM((B, D), jnp.float32),
            pltpu.VMEM((B, D), jnp.float32),
            pltpu.VMEM_SHARED((N2, D), jnp.float32),
            pltpu.SemaphoreType.DMA,
            pltpu.SemaphoreType.DMA,
            pltpu.SemaphoreType.DMA,
            pltpu.SemaphoreType.DMA,
        ],
    )
    def body(src_hbm, dst_hbm, x_hbm, out_sum, src_v, dst_v, rows0, rows1,
             rows2, rows3, acc_sh, sem0, sem1, sem2, sem3):
        rows = [rows0, rows1, rows2, rows3]
        sems = [sem0, sem1, sem2, sem3]
        c = lax.axis_index("c")
        s = lax.axis_index("s")
        wid = s * NC + c
        base = pl.multiple_of(s * RPT, B)

        zeros = jnp.zeros((LANES,), jnp.float32)

        def zfill(i, _):
            r = i // (D // LANES)
            k = i % (D // LANES)
            rows0[r, pl.ds(k * LANES, LANES)] = zeros
            return 0
        lax.fori_loop(0, B * (D // LANES), zfill, 0)

        def accz(t, _):
            off = pl.multiple_of(base + t * B, B)
            pltpu.sync_copy(rows0, acc_sh.at[pl.ds(off, B), :])
            return 0
        lax.fori_loop(0, RPT // B, accz, 0)

        plsc.subcore_barrier()

        def chunk(tc, _):
            coff = pl.multiple_of(tc * CHB, CHB)
            pltpu.sync_copy(src_hbm.at[wid, pl.ds(coff, CHB), :], src_v)
            pltpu.sync_copy(dst_hbm.at[wid, pl.ds(coff, CHB), :], dst_v)
            for b in range(NBUF - 1):
                pltpu.async_copy(x_hbm.at[src_v.at[b]], rows[b], sems[b])

            def group(t, _):
                j0 = pl.multiple_of(t * NBUF, NBUF)
                for b in range(NBUF):
                    j = j0 + b
                    pltpu.make_async_copy(x_hbm.at[src_v.at[j]], rows[b],
                                          sems[b]).wait()
                    bn = (b + NBUF - 1) % NBUF

                    @pl.when(j + NBUF - 1 < CHB)
                    def _():
                        pltpu.async_copy(x_hbm.at[src_v.at[j + NBUF - 1]],
                                         rows[bn], sems[bn])

                    pltpu.sync_copy(rows[b], acc_sh.at[dst_v.at[j]],
                                    add=True)
                return 0
            lax.fori_loop(0, CHB // NBUF, group, 0)
            return 0
        lax.fori_loop(0, NB // CHB, chunk, 0)

        plsc.subcore_barrier()

        def copyout(t, _):
            off = pl.multiple_of(base + t * B, B)
            pltpu.sync_copy(acc_sh.at[pl.ds(off, B), :],
                            out_sum.at[c, pl.ds(off, B), :])
            return 0
        lax.fori_loop(0, RPT // B, copyout, 0)

    return body(src_idx, dst_idx, x)


def _hist_body(dst_row_ref, dst_col_ref, o_ref):
    i = pl.program_id(0)

    @pl.when(i == 0)
    def _():
        o_ref[...] = jnp.zeros_like(o_ref)

    dr = dst_row_ref[0]
    dc = dst_col_ref[...]
    hi = dr // D
    lo = dc % D
    a = (lax.broadcasted_iota(jnp.int32, (HI, EC), 0) == hi)
    b = (lax.broadcasted_iota(jnp.int32, (EC, D), 1) == lo)
    o_ref[...] += jnp.dot(a.astype(jnp.float32), b.astype(jnp.float32),
                          preferred_element_type=jnp.float32)


def _degree_histogram(dst):
    dst_row = dst.reshape(E // EC, 1, EC)
    dst_col = dst.reshape(E, 1)
    return pl.pallas_call(
        _hist_body,
        grid=(E // EC,),
        in_specs=[
            pl.BlockSpec((1, 1, EC), lambda i: (i, 0, 0)),
            pl.BlockSpec((EC, 1), lambda i: (i, 0)),
        ],
        out_specs=pl.BlockSpec((HI, D), lambda i: (0, 0)),
        out_shape=jax.ShapeDtypeStruct((HI, D), jnp.float32),
    )(dst_row, dst_col)


def _tc_body(x_ref, part_ref, deg_ref, ws_ref, wn_ref, bias_ref, o_ref):
    deg = deg_ref[...]
    h = part_ref[0] + part_ref[1]
    hn = h / jnp.maximum(deg, 1.0)
    o_ref[...] = (
        jnp.dot(x_ref[...], ws_ref[...], preferred_element_type=jnp.float32)
        + jnp.dot(hn, wn_ref[...], preferred_element_type=jnp.float32)
        + bias_ref[...]
    )


def _tc_combine(x, part, deg, W_self, W_neigh, bias):
    R = 400
    return pl.pallas_call(
        _tc_body,
        grid=(N // R,),
        in_specs=[
            pl.BlockSpec((R, D), lambda i: (i, 0)),
            pl.BlockSpec((NC, R, D), lambda i: (0, i, 0)),
            pl.BlockSpec((R, 1), lambda i: (i, 0)),
            pl.BlockSpec((D, D), lambda i: (0, 0)),
            pl.BlockSpec((D, D), lambda i: (0, 0)),
            pl.BlockSpec((1, D), lambda i: (0, 0)),
        ],
        out_specs=pl.BlockSpec((R, D), lambda i: (i, 0)),
        out_shape=jax.ShapeDtypeStruct((N, D), jnp.float32),
    )(x, part, deg, W_self, W_neigh, bias)


def kernel(x, edge_index, W_self, b_self, W_neigh, b_neigh):
    src = edge_index[0].astype(jnp.int32)
    dst = edge_index[1].astype(jnp.int32)
    pad = EPAD - E
    srcp = jnp.concatenate([src, jnp.zeros((pad,), jnp.int32)]).reshape(NW, NB, B)
    dstp = jnp.concatenate([dst, jnp.full((pad,), DUMMY, jnp.int32)]).reshape(NW, NB, B)
    part = _sc_segment_sum(srcp, dstp, x)
    deg = _degree_histogram(dst).reshape(N2)[:N].reshape(N, 1)
    bias = (b_self + b_neigh).reshape(1, D)
    return _tc_combine(x, part, deg, W_self, W_neigh, bias)

# --- scband reference (transcript-rebuilt; emitter-appended) ---
"""Pipeline reference for scband-sageconv-4964982194658 (READ-ONLY COPY).

The authoritative reference and input builder live on the scoring server;
editing this copy changes nothing except your own understanding.
"""

import jax, jax.numpy as jnp
import numpy as np

N_NODES = 10000
N_EDGES = 320000
D_IN = 128
D_OUT = 128

def setup_inputs(seed: int = 0) -> dict:
    key = jax.random.key(seed)
    k1, k2, k3, k4, k5, k6 = jax.random.split(key, 6)
    x = jax.random.normal(k1, (N_NODES, D_IN), dtype=jnp.float32)
    edge_index = jax.random.randint(k2, (2, N_EDGES), 0, N_NODES, dtype=jnp.int64)
    # Glorot-ish init for dense layers
    s_self = 1.0 / np.sqrt(D_IN)
    W_self = jax.random.uniform(k3, (D_IN, D_OUT), dtype=jnp.float32, minval=-s_self, maxval=s_self)
    b_self = jnp.zeros((D_OUT,), dtype=jnp.float32)
    W_neigh = jax.random.uniform(k4, (D_IN, D_OUT), dtype=jnp.float32, minval=-s_self, maxval=s_self)
    b_neigh = jnp.zeros((D_OUT,), dtype=jnp.float32)
    return {"x": x, "edge_index": edge_index, "W_self": W_self, "b_self": b_self, "W_neigh": W_neigh, "b_neigh": b_neigh}

def reference(x, edge_index, W_self, b_self, W_neigh, b_neigh):
    # SAGEConv with 'mean' aggregator, feat_drop=0 (identity at inference):
    # h_neigh[i] = mean_{j in N(i)} x[j]
    # rst = fc_self(x) + fc_neigh(h_neigh)
    src = edge_index[0]
    dst = edge_index[1]
    msgs = jnp.take(x, src, axis=0)                      # gather: [E, D_IN]
    summed = jax.ops.segment_sum(msgs, dst, num_segments=N_NODES)  # scatter-add
    deg = jax.ops.segment_sum(jnp.ones((N_EDGES,), dtype=jnp.float32), dst, num_segments=N_NODES)
    h_neigh = summed / jnp.maximum(deg, 1.0)[:, None]
    rst = (x @ W_self + b_self) + (h_neigh @ W_neigh + b_neigh)
    return rst

if __name__ == "__main__":
    import jax
    _d = setup_inputs()
    print(jax.jit(kernel)(*tuple(_d.values())))

</pallas_src>

<mosaic_0001>
#map = affine_map<(d0, d1) -> (0, 0, 0)>
#map1 = affine_map<(d0, d1) -> (0, 0)>
module attributes {stable_mosaic.version = 14 : i64} {
  func.func @body(%arg0: i32, %arg1: i32, %arg2: memref<32x160x64xi32, #tpu.memory_space<hbm>>, %arg3: memref<32x160x64xi32, #tpu.memory_space<hbm>>, %arg4: memref<10000x128xf32, #tpu.memory_space<hbm>>, %arg5: memref<2x10240x128xf32, #tpu.memory_space<hbm>>, %arg6: memref<40x64xi32, #tpu.memory_space<vmem>>, %arg7: memref<40x64xi32, #tpu.memory_space<vmem>>, %arg8: memref<64x128xf32, #tpu.memory_space<vmem>>, %arg9: memref<64x128xf32, #tpu.memory_space<vmem>>, %arg10: memref<64x128xf32, #tpu.memory_space<vmem>>, %arg11: memref<64x128xf32, #tpu.memory_space<vmem>>, %arg12: memref<10240x128xf32, #tpu.memory_space<vmem_shared>>, %arg13: memref<!tpu.dma_semaphore, #tpu.memory_space<semaphore_mem>>, %arg14: memref<!tpu.dma_semaphore, #tpu.memory_space<semaphore_mem>>, %arg15: memref<!tpu.dma_semaphore, #tpu.memory_space<semaphore_mem>>, %arg16: memref<!tpu.dma_semaphore, #tpu.memory_space<semaphore_mem>>) attributes {dimension_semantics = [#tpu.dimension_semantics<core_parallel>, #tpu.dimension_semantics<subcore_parallel>], iteration_bounds = array<i64: 2, 16>, scalar_prefetch = 0 : i64, scratch_operands = 11 : i64, tpu.core_type = #tpu.core_type<sc_vector_subcore>, window_params = [{transform_indices = #map}, {transform_indices = #map}, {transform_indices = #map1}, {transform_indices = #map}]} {
    %mul3A = arith.constant 2 : i32
    %mul3A_0 = arith.muli %arg1, %mul3A : i32
    %add3A = arith.addi %mul3A_0, %arg0 : i32
    %mul3A_1 = arith.constant 640 : i32
    %mul3A_2 = arith.muli %arg1, %mul3A_1 : i32
    %multiple_of3A = tpu.assume_multiple %mul3A_2, 64 : i32
    %broadcast_in_dim3A = arith.constant 0.000000e+00 : f32
    %broadcast_in_dim3A_3 = vector.broadcast %broadcast_in_dim3A : f32 to vector<16xf32>
    %scan3A = arith.constant 0 : i32
    %scan3A_4 = arith.constant 0 : i32
    %scan3A_5 = arith.constant 512 : i32
    %scan3A_6 = arith.addi %scan3A_4, %scan3A_5 : i32
    %scan3A_7 = arith.constant 1 : i32
    %scan3A_8 = scf.for %scan3A_32 = %scan3A_4 to %scan3A_6 step %scan3A_7 iter_args(%scan3A_33 = %scan3A) -> (i32)  : i32 {
      %jit3A = arith.constant 8 : i32
      %div3A = arith.divsi %scan3A_32, %jit3A : i32
      %sign3A = arith.constant 0 : i32
      %sign3A_34 = arith.cmpi sgt, %scan3A_32, %sign3A : i32
      %sign3A_35 = arith.extui %sign3A_34 : i1 to i32
      %sign3A_36 = arith.constant 0 : i32
      %sign3A_37 = arith.cmpi slt, %scan3A_32, %sign3A_36 : i32
      %sign3A_38 = arith.extui %sign3A_37 : i1 to i32
      %sign3A_39 = arith.subi %sign3A_35, %sign3A_38 : i32
      %sign3A_40 = arith.constant 0 : i32
      %sign3A_41 = arith.cmpi sgt, %jit3A, %sign3A_40 : i32
      %sign3A_42 = arith.extui %sign3A_41 : i1 to i32
      %sign3A_43 = arith.constant 0 : i32
      %sign3A_44 = arith.cmpi slt, %jit3A, %sign3A_43 : i32
      %sign3A_45 = arith.extui %sign3A_44 : i1 to i32
      %sign3A_46 = arith.subi %sign3A_42, %sign3A_45 : i32
      %ne3A = arith.cmpi ne, %sign3A_39, %sign3A_46 : i32
      %rem3A = arith.remsi %scan3A_32, %jit3A : i32
      %ne3A_47 = arith.constant 0 : i32
      %ne3A_48 = arith.cmpi ne, %rem3A, %ne3A_47 : i32
      %and3A = arith.andi %ne3A, %ne3A_48 : i1
      %sub3A = arith.constant 1 : i32
      %sub3A_49 = arith.subi %div3A, %sub3A : i32
      %select_n3A = arith.select %and3A, %sub3A_49, %div3A : i32
      %jit3A_50 = arith.constant 8 : i32
      %eq3A = arith.constant 0 : i32
      %eq3A_51 = arith.cmpi eq, %jit3A_50, %eq3A : i32
      %jit3A_52 = arith.constant 1 : i32
      %select_n3A_53 = arith.select %eq3A_51, %jit3A_52, %jit3A_50 : i32
      %rem3A_54 = arith.remsi %scan3A_32, %select_n3A_53 : i32
      %ne3A_55 = arith.constant 0 : i32
      %ne3A_56 = arith.cmpi ne, %rem3A_54, %ne3A_55 : i32
      %lt3A = arith.constant 0 : i32
      %lt3A_57 = arith.cmpi slt, %rem3A_54, %lt3A : i32
      %lt3A_58 = arith.constant 0 : i32
      %lt3A_59 = arith.cmpi slt, %select_n3A_53, %lt3A_58 : i32
      %ne3A_60 = arith.xori %lt3A_57, %lt3A_59 : i1
      %and3A_61 = arith.andi %ne3A_60, %ne3A_56 : i1
      %add3A_62 = arith.addi %rem3A_54, %select_n3A_53 : i32
      %select_n3A_63 = arith.select %and3A_61, %add3A_62, %rem3A_54 : i32
      %mul3A_64 = arith.constant 16 : i32
      %mul3A_65 = arith.muli %select_n3A_63, %mul3A_64 : i32
      %swap3A = arith.index_cast %select_n3A : i32 to index
      %swap3A_66 = arith.index_cast %mul3A_65 : i32 to index
      %swap3A_67 = tpu.vector_load %arg8[%swap3A, %swap3A_66] {strides = array<i32>} : memref<64x128xf32, #tpu.memory_space<vmem>>, vector<1x16xf32>,
      %swap3A_68 = vector.shape_cast %swap3A_67 : vector<1x16xf32> to vector<16xf32>
      %swap3A_69 = vector.shape_cast %broadcast_in_dim3A_3 : vector<16xf32> to vector<1x16xf32>
      tpu.vector_store %arg8[%swap3A, %swap3A_66], %swap3A_69 {strides = array<i32>} : memref<64x128xf32, #tpu.memory_space<vmem>>, vector<1x16xf32>,
      %scan3A_70 = arith.constant 0 : i32
      scf.yield %scan3A_70 : i32
    }
    %scan3A_9 = arith.constant 512 : i32
    %scan3A_10 = arith.constant 0 : i32
    %scan3A_11 = arith.constant 0 : i32
    %scan3A_12 = arith.constant 10 : i32
    %scan3A_13 = arith.addi %scan3A_11, %scan3A_12 : i32
    %scan3A_14 = arith.constant 1 : i32
    %scan3A_15 = scf.for %scan3A_32 = %scan3A_11 to %scan3A_13 step %scan3A_14 iter_args(%scan3A_33 = %scan3A_10) -> (i32)  : i32 {
      %mul3A_34 = arith.constant 64 : i32
      %mul3A_35 = arith.muli %scan3A_32, %mul3A_34 : i32
      %add3A_36 = arith.addi %multiple_of3A, %mul3A_35 : i32
      %multiple_of3A_37 = tpu.assume_multiple %add3A_36, 64 : i32
      "tpu.region"() ({
        %run_scoped3A = tpu.sem_alloc : memref<!tpu.dma_semaphore, #tpu.memory_space<semaphore_mem>>
        %dma_start3A = arith.constant 0 : i32
        %dma_start3A_39 = tpu.memref_slice %arg12[%multiple_of3A_37, %dma_start3A] : memref<10240x128xf32, #tpu.memory_space<vmem_shared>> -> memref<64x128xf32, #tpu.memory_space<vmem_shared>>
        %dma_start3A_40 = arith.constant 0 : i32
        %dma_start3A_41 = tpu.memref_slice %arg12[%multiple_of3A_37, %dma_start3A_40] : memref<10240x128xf32, #tpu.memory_space<vmem_shared>> -> memref<64x128xf32, #tpu.memory_space<vmem_shared>>
        tpu.enqueue_dma source(%arg8 : memref<64x128xf32, #tpu.memory_space<vmem>>) target(%dma_start3A_41 : memref<64x128xf32, #tpu.memory_space<vmem_shared>>) target_semaphore(%run_scoped3A : memref<!tpu.dma_semaphore, #tpu.memory_space<semaphore_mem>>)
        %dma_wait3A = arith.constant 0 : i32
        %dma_wait3A_42 = tpu.memref_slice %arg12[%multiple_of3A_37, %dma_wait3A] : memref<10240x128xf32, #tpu.memory_space<vmem_shared>> -> memref<64x128xf32, #tpu.memory_space<vmem_shared>>
        %dma_wait3A_43 = arith.constant 0 : i32
        %dma_wait3A_44 = tpu.memref_slice %arg12[%multiple_of3A_37, %dma_wait3A_43] : memref<10240x128xf32, #tpu.memory_space<vmem_shared>> -> memref<64x128xf32, #tpu.memory_space<vmem_shared>>
        tpu.wait_dma2 semaphore(%run_scoped3A : memref<!tpu.dma_semaphore, #tpu.memory_space<semaphore_mem>>) src(%arg8 : memref<64x128xf32, #tpu.memory_space<vmem>>) dst(%dma_wait3A_44 : memref<64x128xf32, #tpu.memory_space<vmem_shared>>)
        tpu.yield
      }) : () -> ()
      %scan3A_38 = arith.constant 0 : i32
      scf.yield %scan3A_38 : i32
    }
    %scan3A_16 = arith.constant 10 : i32
    %barrier3A = arith.constant 0 : index
    tpu.barrier barrier_id(%barrier3A)
    %scan3A_17 = arith.constant 0 : i32
    %scan3A_18 = arith.constant 0 : i32
    %scan3A_19 = arith.constant 4 : i32
    %scan3A_20 = arith.addi %scan3A_18, %scan3A_19 : i32
    %scan3A_21 = arith.constant 1 : i32
    %scan3A_22 = scf.for %scan3A_32 = %scan3A_18 to %scan3A_20 step %scan3A_21 iter_args(%scan3A_33 = %scan3A_17) -> (i32)  : i32 {
      %mul3A_34 = arith.constant 40 : i32
      %mul3A_35 = arith.muli %scan3A_32, %mul3A_34 : i32
      %multiple_of3A_36 = tpu.assume_multiple %mul3A_35, 40 : i32
      "tpu.region"() ({
        %run_scoped3A = tpu.sem_alloc : memref<!tpu.dma_semaphore, #tpu.memory_space<semaphore_mem>>
        %dma_start3A_65 = arith.constant 0 : i32
        %dma_start3A_66 = tpu.memref_slice %arg2[%add3A, %multiple_of3A_36, %dma_start3A_65] : memref<32x160x64xi32, #tpu.memory_space<hbm>> -> memref<1x40x64xi32, #tpu.memory_space<hbm>>
        %dma_start3A_67 = tpu.memref_squeeze %dma_start3A_66 : memref<1x40x64xi32, #tpu.memory_space<hbm>> -> memref<40x64xi32, #tpu.memory_space<hbm>>
        %dma_start3A_68 = arith.constant 0 : i32
        %dma_start3A_69 = tpu.memref_slice %arg2[%add3A, %multiple_of3A_36, %dma_start3A_68] : memref<32x160x64xi32, #tpu.memory_space<hbm>> -> memref<1x40x64xi32, #tpu.memory_space<hbm>>
        %dma_start3A_70 = tpu.memref_squeeze %dma_start3A_69 : memref<1x40x64xi32, #tpu.memory_space<hbm>> -> memref<40x64xi32, #tpu.memory_space<hbm>>
        tpu.enqueue_dma source(%dma_start3A_70 : memref<40x64xi32, #tpu.memory_space<hbm>>) target(%arg6 : memref<40x64xi32, #tpu.memory_space<vmem>>) target_semaphore(%run_scoped3A : memref<!tpu.dma_semaphore, #tpu.memory_space<semaphore_mem>>)
        %dma_wait3A = arith.constant 0 : i32
        %dma_wait3A_71 = tpu.memref_slice %arg2[%add3A, %multiple_of3A_36, %dma_wait3A] : memref<32x160x64xi32, #tpu.memory_space<hbm>> -> memref<1x40x64xi32, #tpu.memory_space<hbm>>
        %dma_wait3A_72 = tpu.memref_squeeze %dma_wait3A_71 : memref<1x40x64xi32, #tpu.memory_space<hbm>> -> memref<40x64xi32, #tpu.memory_space<hbm>>
        %dma_wait3A_73 = arith.constant 0 : i32
        %dma_wait3A_74 = tpu.memref_slice %arg2[%add3A, %multiple_of3A_36, %dma_wait3A_73] : memref<32x160x64xi32, #tpu.memory_space<hbm>> -> memref<1x40x64xi32, #tpu.memory_space<hbm>>
        %dma_wait3A_75 = tpu.memref_squeeze %dma_wait3A_74 : memref<1x40x64xi32, #tpu.memory_space<hbm>> -> memref<40x64xi32, #tpu.memory_space<hbm>>
        tpu.wait_dma2 semaphore(%run_scoped3A : memref<!tpu.dma_semaphore, #tpu.memory_space<semaphore_mem>>) src(%dma_wait3A_75 : memref<40x64xi32, #tpu.memory_space<hbm>>) dst(%arg6 : memref<40x64xi32, #tpu.memory_space<vmem>>)
        tpu.yield
      }) : () -> ()
      "tpu.region"() ({
        %run_scoped3A = tpu.sem_alloc : memref<!tpu.dma_semaphore, #tpu.memory_space<semaphore_mem>>
        %dma_start3A_65 = arith.constant 0 : i32
        %dma_start3A_66 = tpu.memref_slice %arg3[%add3A, %multiple_of3A_36, %dma_start3A_65] : memref<32x160x64xi32, #tpu.memory_space<hbm>> -> memref<1x40x64xi32, #tpu.memory_space<hbm>>
        %dma_start3A_67 = tpu.memref_squeeze %dma_start3A_66 : memref<1x40x64xi32, #tpu.memory_space<hbm>> -> memref<40x64xi32, #tpu.memory_space<hbm>>
        %dma_start3A_68 = arith.constant 0 : i32
        %dma_start3A_69 = tpu.memref_slice %arg3[%add3A, %multiple_of3A_36, %dma_start3A_68] : memref<32x160x64xi32, #tpu.memory_space<hbm>> -> memref<1x40x64xi32, #tpu.memory_space<hbm>>
        %dma_start3A_70 = tpu.memref_squeeze %dma_start3A_69 : memref<1x40x64xi32, #tpu.memory_space<hbm>> -> memref<40x64xi32, #tpu.memory_space<hbm>>
        tpu.enqueue_dma source(%dma_start3A_70 : memref<40x64xi32, #tpu.memory_space<hbm>>) target(%arg7 : memref<40x64xi32, #tpu.memory_space<vmem>>) target_semaphore(%run_scoped3A : memref<!tpu.dma_semaphore, #tpu.memory_space<semaphore_mem>>)
        %dma_wait3A = arith.constant 0 : i32
        %dma_wait3A_71 = tpu.memref_slice %arg3[%add3A, %multiple_of3A_36, %dma_wait3A] : memref<32x160x64xi32, #tpu.memory_space<hbm>> -> memref<1x40x64xi32, #tpu.memory_space<hbm>>
        %dma_wait3A_72 = tpu.memref_squeeze %dma_wait3A_71 : memref<1x40x64xi32, #tpu.memory_space<hbm>> -> memref<40x64xi32, #tpu.memory_space<hbm>>
        %dma_wait3A_73 = arith.constant 0 : i32
        %dma_wait3A_74 = tpu.memref_slice %arg3[%add3A, %multiple_of3A_36, %dma_wait3A_73] : memref<32x160x64xi32, #tpu.memory_space<hbm>> -> memref<1x40x64xi32, #tpu.memory_space<hbm>>
        %dma_wait3A_75 = tpu.memref_squeeze %dma_wait3A_74 : memref<1x40x64xi32, #tpu.memory_space<hbm>> -> memref<40x64xi32, #tpu.memory_space<hbm>>
        tpu.wait_dma2 semaphore(%run_scoped3A : memref<!tpu.dma_semaphore, #tpu.memory_space<semaphore_mem>>) src(%dma_wait3A_75 : memref<40x64xi32, #tpu.memory_space<hbm>>) dst(%arg7 : memref<40x64xi32, #tpu.memory_space<vmem>>)
        tpu.yield
      }) : () -> ()
      %dma_start3A = arith.constant 0 : i32
      %dma_start3A_37 = arith.constant 0 : i32
      %dma_start3A_38 = tpu.memref_slice %arg6[%dma_start3A, %dma_start3A_37] : memref<40x64xi32, #tpu.memory_space<vmem>> -> memref<1x64xi32, #tpu.memory_space<vmem>>
      %dma_start3A_39 = tpu.memref_squeeze %dma_start3A_38 : memref<1x64xi32, #tpu.memory_space<vmem>> -> memref<64xi32, #tpu.memory_space<vmem>>
      %dma_start3A_40 = arith.constant 0 : i32
      %dma_start3A_41 = arith.constant 0 : i32
      %dma_start3A_42 = tpu.memref_slice %arg4[%dma_start3A_40, %dma_start3A_41] : memref<10000x128xf32, #tpu.memory_space<hbm>> -> memref<10000x128xf32, #tpu.memory_space<hbm>>
      tpu.enqueue_indirect_dma source(%dma_start3A_42 : memref<10000x128xf32, #tpu.memory_space<hbm>>) target(%arg8 : memref<64x128xf32, #tpu.memory_space<vmem>>) offsets(%dma_start3A_39 : memref<64xi32, #tpu.memory_space<vmem>>) semaphore(%arg13 : memref<!tpu.dma_semaphore, #tpu.memory_space<semaphore_mem>>)
      %dma_start3A_43 = arith.constant 1 : i32
      %dma_start3A_44 = arith.constant 0 : i32
      %dma_start3A_45 = tpu.memref_slice %arg6[%dma_start3A_43, %dma_start3A_44] : memref<40x64xi32, #tpu.memory_space<vmem>> -> memref<1x64xi32, #tpu.memory_space<vmem>>
      %dma_start3A_46 = tpu.memref_squeeze %dma_start3A_45 : memref<1x64xi32, #tpu.memory_space<vmem>> -> memref<64xi32, #tpu.memory_space<vmem>>
      %dma_start3A_47 = arith.constant 0 : i32
      %dma_start3A_48 = arith.constant 0 : i32
      %dma_start3A_49 = tpu.memref_slice %arg4[%dma_start3A_47, %dma_start3A_48] : memref<10000x128xf32, #tpu.memory_space<hbm>> -> memref<10000x128xf32, #tpu.memory_space<hbm>>
      tpu.enqueue_indirect_dma source(%dma_start3A_49 : memref<10000x128xf32, #tpu.memory_space<hbm>>) target(%arg9 : memref<64x128xf32, #tpu.memory_space<vmem>>) offsets(%dma_start3A_46 : memref<64xi32, #tpu.memory_space<vmem>>) semaphore(%arg14 : memref<!tpu.dma_semaphore, #tpu.memory_space<semaphore_mem>>)
      %dma_start3A_50 = arith.constant 2 : i32
      %dma_start3A_51 = arith.constant 0 : i32
      %dma_start3A_52 = tpu.memref_slice %arg6[%dma_start3A_50, %dma_start3A_51] : memref<40x64xi32, #tpu.memory_space<vmem>> -> memref<1x64xi32, #tpu.memory_space<vmem>>
      %dma_start3A_53 = tpu.memref_squeeze %dma_start3A_52 : memref<1x64xi32, #tpu.memory_space<vmem>> -> memref<64xi32, #tpu.memory_space<vmem>>
      %dma_start3A_54 = arith.constant 0 : i32
      %dma_start3A_55 = arith.constant 0 : i32
      %dma_start3A_56 = tpu.memref_slice %arg4[%dma_start3A_54, %dma_start3A_55] : memref<10000x128xf32, #tpu.memory_space<hbm>> -> memref<10000x128xf32, #tpu.memory_space<hbm>>
      tpu.enqueue_indirect_dma source(%dma_start3A_56 : memref<10000x128xf32, #tpu.memory_space<hbm>>) target(%arg10 : memref<64x128xf32, #tpu.memory_space<vmem>>) offsets(%dma_start3A_53 : memref<64xi32, #tpu.memory_space<vmem>>) semaphore(%arg15 : memref<!tpu.dma_semaphore, #tpu.memory_space<semaphore_mem>>)
      %scan3A_57 = arith.constant 0 : i32
      %scan3A_58 = arith.constant 0 : i32
      %scan3A_59 = arith.constant 10 : i32
      %scan3A_60 = arith.addi %scan3A_58, %scan3A_59 : i32
      %scan3A_61 = arith.constant 1 : i32
      %scan3A_62 = scf.for %scan3A_65 = %scan3A_58 to %scan3A_60 step %scan3A_61 iter_args(%scan3A_66 = %scan3A_57) -> (i32)  : i32 {
        %mul3A_67 = arith.constant 4 : i32
        %mul3A_68 = arith.muli %scan3A_65, %mul3A_67 : i32
        %multiple_of3A_69 = tpu.assume_multiple %mul3A_68, 4 : i32
        %add3A_70 = arith.constant 0 : i32
        %add3A_71 = arith.addi %multiple_of3A_69, %add3A_70 : i32
        %dma_wait3A = arith.constant 0 : i32
        %dma_wait3A_72 = tpu.memref_slice %arg6[%add3A_71, %dma_wait3A] : memref<40x64xi32, #tpu.memory_space<vmem>> -> memref<1x64xi32, #tpu.memory_space<vmem>>
        %dma_wait3A_73 = tpu.memref_squeeze %dma_wait3A_72 : memref<1x64xi32, #tpu.memory_space<vmem>> -> memref<64xi32, #tpu.memory_space<vmem>>
        %dma_wait3A_74 = arith.constant 0 : i32
        %dma_wait3A_75 = arith.constant 0 : i32
        %dma_wait3A_76 = tpu.memref_slice %arg4[%dma_wait3A_74, %dma_wait3A_75] : memref<10000x128xf32, #tpu.memory_space<hbm>> -> memref<10000x128xf32, #tpu.memory_space<hbm>>
        tpu.wait_indirect_dma semaphore(%arg13 : memref<!tpu.dma_semaphore, #tpu.memory_space<semaphore_mem>>) src(%dma_wait3A_76 : memref<10000x128xf32, #tpu.memory_space<hbm>>) dst(%arg8 : memref<64x128xf32, #tpu.memory_space<vmem>>)
        %add3A_77 = arith.constant 4 : i32
        %add3A_78 = arith.addi %add3A_71, %add3A_77 : i32
        %sub3A = arith.constant 1 : i32
        %sub3A_79 = arith.subi %add3A_78, %sub3A : i32
        %lt3A = arith.constant 40 : i32
        %lt3A_80 = arith.cmpi slt, %sub3A_79, %lt3A : i32
        %convert_element_type3A = arith.extui %lt3A_80 : i1 to i32
        %cond3A = arith.constant 0 : i32
        %cond3A_81 = arith.cmpi ne, %convert_element_type3A, %cond3A : i32
        scf.if %cond3A_81 {
          %add3A_134 = arith.constant 4 : i32
          %add3A_135 = arith.addi %add3A_71, %add3A_134 : i32
          %sub3A_136 = arith.constant 1 : i32
          %sub3A_137 = arith.subi %add3A_135, %sub3A_136 : i32
          %dma_start3A_138 = arith.constant 0 : i32
          %dma_start3A_139 = tpu.memref_slice %arg6[%sub3A_137, %dma_start3A_138] : memref<40x64xi32, #tpu.memory_space<vmem>> -> memref<1x64xi32, #tpu.memory_space<vmem>>
          %dma_start3A_140 = tpu.memref_squeeze %dma_start3A_139 : memref<1x64xi32, #tpu.memory_space<vmem>> -> memref<64xi32, #tpu.memory_space<vmem>>
          %dma_start3A_141 = arith.constant 0 : i32
          %dma_start3A_142 = arith.constant 0 : i32
          %dma_start3A_143 = tpu.memref_slice %arg4[%dma_start3A_141, %dma_start3A_142] : memref<10000x128xf32, #tpu.memory_space<hbm>> -> memref<10000x128xf32, #tpu.memory_space<hbm>>
          tpu.enqueue_indirect_dma source(%dma_start3A_143 : memref<10000x128xf32, #tpu.memory_space<hbm>>) target(%arg11 : memref<64x128xf32, #tpu.memory_space<vmem>>) offsets(%dma_start3A_140 : memref<64xi32, #tpu.memory_space<vmem>>) semaphore(%arg16 : memref<!tpu.dma_semaphore, #tpu.memory_space<semaphore_mem>>)
        } else {
        }
        "tpu.region"() ({
          %run_scoped3A = tpu.sem_alloc : memref<!tpu.dma_semaphore, #tpu.memory_space<semaphore_mem>>
          %dma_start3A_134 = arith.constant 0 : i32
          %dma_start3A_135 = tpu.memref_slice %arg7[%add3A_71, %dma_start3A_134] : memref<40x64xi32, #tpu.memory_space<vmem>> -> memref<1x64xi32, #tpu.memory_space<vmem>>
          %dma_start3A_136 = tpu.memref_squeeze %dma_start3A_135 : memref<1x64xi32, #tpu.memory_space<vmem>> -> memref<64xi32, #tpu.memory_space<vmem>>
          %dma_start3A_137 = arith.constant 0 : i32
          %dma_start3A_138 = arith.constant 0 : i32
          %dma_start3A_139 = tpu.memref_slice %arg12[%dma_start3A_137, %dma_start3A_138] : memref<10240x128xf32, #tpu.memory_space<vmem_shared>> -> memref<10240x128xf32, #tpu.memory_space<vmem_shared>>
          tpu.enqueue_indirect_dma source(%arg8 : memref<64x128xf32, #tpu.memory_space<vmem>>) target(%dma_start3A_139 : memref<10240x128xf32, #tpu.memory_space<vmem_shared>>) offsets(%dma_start3A_136 : memref<64xi32, #tpu.memory_space<vmem>>) semaphore(%run_scoped3A : memref<!tpu.dma_semaphore, #tpu.memory_space<semaphore_mem>>) {add = true}
          %dma_wait3A_140 = arith.constant 0 : i32
          %dma_wait3A_141 = tpu.memref_slice %arg7[%add3A_71, %dma_wait3A_140] : memref<40x64xi32, #tpu.memory_space<vmem>> -> memref<1x64xi32, #tpu.memory_space<vmem>>
          %dma_wait3A_142 = tpu.memref_squeeze %dma_wait3A_141 : memref<1x64xi32, #tpu.memory_space<vmem>> -> memref<64xi32, #tpu.memory_space<vmem>>
          %dma_wait3A_143 = arith.constant 0 : i32
          %dma_wait3A_144 = arith.constant 0 : i32
          %dma_wait3A_145 = tpu.memref_slice %arg12[%dma_wait3A_143, %dma_wait3A_144] : memref<10240x128xf32, #tpu.memory_space<vmem_shared>> -> memref<10240x128xf32, #tpu.memory_space<vmem_shared>>
          tpu.wait_indirect_dma semaphore(%run_scoped3A : memref<!tpu.dma_semaphore, #tpu.memory_space<semaphore_mem>>) src(%arg8 : memref<64x128xf32, #tpu.memory_space<vmem>>) dst(%dma_wait3A_145 : memref<10240x128xf32, #tpu.memory_space<vmem_shared>>)
          tpu.yield
        }) : () -> ()
        %add3A_82 = arith.constant 1 : i32
        %add3A_83 = arith.addi %multiple_of3A_69, %add3A_82 : i32
        %dma_wait3A_84 = arith.constant 0 : i32
        %dma_wait3A_85 = tpu.memref_slice %arg6[%add3A_83, %dma_wait3A_84] : memref<40x64xi32, #tpu.memory_space<vmem>> -> memref<1x64xi32, #tpu.memory_space<vmem>>
        %dma_wait3A_86 = tpu.memref_squeeze %dma_wait3A_85 : memref<1x64xi32, #tpu.memory_space<vmem>> -> memref<64xi32, #tpu.memory_space<vmem>>
        %dma_wait3A_87 = arith.constant 0 : i32
        %dma_wait3A_88 = arith.constant 0 : i32
        %dma_wait3A_89 = tpu.memref_slice %arg4[%dma_wait3A_87, %dma_wait3A_88] : memref<10000x128xf32, #tpu.memory_space<hbm>> -> memref<10000x128xf32, #tpu.memory_space<hbm>>
        tpu.wait_indirect_dma semaphore(%arg14 : memref<!tpu.dma_semaphore, #tpu.memory_space<semaphore_mem>>) src(%dma_wait3A_89 : memref<10000x128xf32, #tpu.memory_space<hbm>>) dst(%arg9 : memref<64x128xf32, #tpu.memory_space<vmem>>)
        %add3A_90 = arith.constant 4 : i32
        %add3A_91 = arith.addi %add3A_83, %add3A_90 : i32
        %sub3A_92 = arith.constant 1 : i32
        %sub3A_93 = arith.subi %add3A_91, %sub3A_92 : i32
        %lt3A_94 = arith.constant 40 : i32
        %lt3A_95 = arith.cmpi slt, %sub3A_93, %lt3A_94 : i32
        %convert_element_type3A_96 = arith.extui %lt3A_95 : i1 to i32
        %cond3A_97 = arith.constant 0 : i32
        %cond3A_98 = arith.cmpi ne, %convert_element_type3A_96, %cond3A_97 : i32
        scf.if %cond3A_98 {
          %add3A_134 = arith.constant 4 : i32
          %add3A_135 = arith.addi %add3A_83, %add3A_134 : i32
          %sub3A_136 = arith.constant 1 : i32
          %sub3A_137 = arith.subi %add3A_135, %sub3A_136 : i32
          %dma_start3A_138 = arith.constant 0 : i32
          %dma_start3A_139 = tpu.memref_slice %arg6[%sub3A_137, %dma_start3A_138] : memref<40x64xi32, #tpu.memory_space<vmem>> -> memref<1x64xi32, #tpu.memory_space<vmem>>
          %dma_start3A_140 = tpu.memref_squeeze %dma_start3A_139 : memref<1x64xi32, #tpu.memory_space<vmem>> -> memref<64xi32, #tpu.memory_space<vmem>>
          %dma_start3A_141 = arith.constant 0 : i32
          %dma_start3A_142 = arith.constant 0 : i32
          %dma_start3A_143 = tpu.memref_slice %arg4[%dma_start3A_141, %dma_start3A_142] : memref<10000x128xf32, #tpu.memory_space<hbm>> -> memref<10000x128xf32, #tpu.memory_space<hbm>>
          tpu.enqueue_indirect_dma source(%dma_start3A_143 : memref<10000x128xf32, #tpu.memory_space<hbm>>) target(%arg8 : memref<64x128xf32, #tpu.memory_space<vmem>>) offsets(%dma_start3A_140 : memref<64xi32, #tpu.memory_space<vmem>>) semaphore(%arg13 : memref<!tpu.dma_semaphore, #tpu.memory_space<semaphore_mem>>)
        } else {
        }
        "tpu.region"() ({
          %run_scoped3A = tpu.sem_alloc : memref<!tpu.dma_semaphore, #tpu.memory_space<semaphore_mem>>
          %dma_start3A_134 = arith.constant 0 : i32
          %dma_start3A_135 = tpu.memref_slice %arg7[%add3A_83, %dma_start3A_134] : memref<40x64xi32, #tpu.memory_space<vmem>> -> memref<1x64xi32, #tpu.memory_space<vmem>>
          %dma_start3A_136 = tpu.memref_squeeze %dma_start3A_135 : memref<1x64xi32, #tpu.memory_space<vmem>> -> memref<64xi32, #tpu.memory_space<vmem>>
          %dma_start3A_137 = arith.constant 0 : i32
          %dma_start3A_138 = arith.constant 0 : i32
          %dma_start3A_139 = tpu.memref_slice %arg12[%dma_start3A_137, %dma_start3A_138] : memref<10240x128xf32, #tpu.memory_space<vmem_shared>> -> memref<10240x128xf32, #tpu.memory_space<vmem_shared>>
          tpu.enqueue_indirect_dma source(%arg9 : memref<64x128xf32, #tpu.memory_space<vmem>>) target(%dma_start3A_139 : memref<10240x128xf32, #tpu.memory_space<vmem_shared>>) offsets(%dma_start3A_136 : memref<64xi32, #tpu.memory_space<vmem>>) semaphore(%run_scoped3A : memref<!tpu.dma_semaphore, #tpu.memory_space<semaphore_mem>>) {add = true}
          %dma_wait3A_140 = arith.constant 0 : i32
          %dma_wait3A_141 = tpu.memref_slice %arg7[%add3A_83, %dma_wait3A_140] : memref<40x64xi32, #tpu.memory_space<vmem>> -> memref<1x64xi32, #tpu.memory_space<vmem>>
          %dma_wait3A_142 = tpu.memref_squeeze %dma_wait3A_141 : memref<1x64xi32, #tpu.memory_space<vmem>> -> memref<64xi32, #tpu.memory_space<vmem>>
          %dma_wait3A_143 = arith.constant 0 : i32
          %dma_wait3A_144 = arith.constant 0 : i32
          %dma_wait3A_145 = tpu.memref_slice %arg12[%dma_wait3A_143, %dma_wait3A_144] : memref<10240x128xf32, #tpu.memory_space<vmem_shared>> -> memref<10240x128xf32, #tpu.memory_space<vmem_shared>>
          tpu.wait_indirect_dma semaphore(%run_scoped3A : memref<!tpu.dma_semaphore, #tpu.memory_space<semaphore_mem>>) src(%arg9 : memref<64x128xf32, #tpu.memory_space<vmem>>) dst(%dma_wait3A_145 : memref<10240x128xf32, #tpu.memory_space<vmem_shared>>)
          tpu.yield
        }) : () -> ()
        %add3A_99 = arith.constant 2 : i32
        %add3A_100 = arith.addi %multiple_of3A_69, %add3A_99 : i32
        %dma_wait3A_101 = arith.constant 0 : i32
        %dma_wait3A_102 = tpu.memref_slice %arg6[%add3A_100, %dma_wait3A_101] : memref<40x64xi32, #tpu.memory_space<vmem>> -> memref<1x64xi32, #tpu.memory_space<vmem>>
        %dma_wait3A_103 = tpu.memref_squeeze %dma_wait3A_102 : memref<1x64xi32, #tpu.memory_space<vmem>> -> memref<64xi32, #tpu.memory_space<vmem>>
        %dma_wait3A_104 = arith.constant 0 : i32
        %dma_wait3A_105 = arith.constant 0 : i32
        %dma_wait3A_106 = tpu.memref_slice %arg4[%dma_wait3A_104, %dma_wait3A_105] : memref<10000x128xf32, #tpu.memory_space<hbm>> -> memref<10000x128xf32, #tpu.memory_space<hbm>>
        tpu.wait_indirect_dma semaphore(%arg15 : memref<!tpu.dma_semaphore, #tpu.memory_space<semaphore_mem>>) src(%dma_wait3A_106 : memref<10000x128xf32, #tpu.memory_space<hbm>>) dst(%arg10 : memref<64x128xf32, #tpu.memory_space<vmem>>)
        %add3A_107 = arith.constant 4 : i32
        %add3A_108 = arith.addi %add3A_100, %add3A_107 : i32
        %sub3A_109 = arith.constant 1 : i32
        %sub3A_110 = arith.subi %add3A_108, %sub3A_109 : i32
        %lt3A_111 = arith.constant 40 : i32
        %lt3A_112 = arith.cmpi slt, %sub3A_110, %lt3A_111 : i32
        %convert_element_type3A_113 = arith.extui %lt3A_112 : i1 to i32
        %cond3A_114 = arith.constant 0 : i32
        %cond3A_115 = arith.cmpi ne, %convert_element_type3A_113, %cond3A_114 : i32
        scf.if %cond3A_115 {
          %add3A_134 = arith.constant 4 : i32
          %add3A_135 = arith.addi %add3A_100, %add3A_134 : i32
          %sub3A_136 = arith.constant 1 : i32
          %sub3A_137 = arith.subi %add3A_135, %sub3A_136 : i32
          %dma_start3A_138 = arith.constant 0 : i32
          %dma_start3A_139 = tpu.memref_slice %arg6[%sub3A_137, %dma_start3A_138] : memref<40x64xi32, #tpu.memory_space<vmem>> -> memref<1x64xi32, #tpu.memory_space<vmem>>
          %dma_start3A_140 = tpu.memref_squeeze %dma_start3A_139 : memref<1x64xi32, #tpu.memory_space<vmem>> -> memref<64xi32, #tpu.memory_space<vmem>>
          %dma_start3A_141 = arith.constant 0 : i32
          %dma_start3A_142 = arith.constant 0 : i32
          %dma_start3A_143 = tpu.memref_slice %arg4[%dma_start3A_141, %dma_start3A_142] : memref<10000x128xf32, #tpu.memory_space<hbm>> -> memref<10000x128xf32, #tpu.memory_space<hbm>>
          tpu.enqueue_indirect_dma source(%dma_start3A_143 : memref<10000x128xf32, #tpu.memory_space<hbm>>) target(%arg9 : memref<64x128xf32, #tpu.memory_space<vmem>>) offsets(%dma_start3A_140 : memref<64xi32, #tpu.memory_space<vmem>>) semaphore(%arg14 : memref<!tpu.dma_semaphore, #tpu.memory_space<semaphore_mem>>)
        } else {
        }
        "tpu.region"() ({
          %run_scoped3A = tpu.sem_alloc : memref<!tpu.dma_semaphore, #tpu.memory_space<semaphore_mem>>
          %dma_start3A_134 = arith.constant 0 : i32
          %dma_start3A_135 = tpu.memref_slice %arg7[%add3A_100, %dma_start3A_134] : memref<40x64xi32, #tpu.memory_space<vmem>> -> memref<1x64xi32, #tpu.memory_space<vmem>>
          %dma_start3A_136 = tpu.memref_squeeze %dma_start3A_135 : memref<1x64xi32, #tpu.memory_space<vmem>> -> memref<64xi32, #tpu.memory_space<vmem>>
          %dma_start3A_137 = arith.constant 0 : i32
          %dma_start3A_138 = arith.constant 0 : i32
          %dma_start3A_139 = tpu.memref_slice %arg12[%dma_start3A_137, %dma_start3A_138] : memref<10240x128xf32, #tpu.memory_space<vmem_shared>> -> memref<10240x128xf32, #tpu.memory_space<vmem_shared>>
          tpu.enqueue_indirect_dma source(%arg10 : memref<64x128xf32, #tpu.memory_space<vmem>>) target(%dma_start3A_139 : memref<10240x128xf32, #tpu.memory_space<vmem_shared>>) offsets(%dma_start3A_136 : memref<64xi32, #tpu.memory_space<vmem>>) semaphore(%run_scoped3A : memref<!tpu.dma_semaphore, #tpu.memory_space<semaphore_mem>>) {add = true}
          %dma_wait3A_140 = arith.constant 0 : i32
          %dma_wait3A_141 = tpu.memref_slice %arg7[%add3A_100, %dma_wait3A_140] : memref<40x64xi32, #tpu.memory_space<vmem>> -> memref<1x64xi32, #tpu.memory_space<vmem>>
          %dma_wait3A_142 = tpu.memref_squeeze %dma_wait3A_141 : memref<1x64xi32, #tpu.memory_space<vmem>> -> memref<64xi32, #tpu.memory_space<vmem>>
          %dma_wait3A_143 = arith.constant 0 : i32
          %dma_wait3A_144 = arith.constant 0 : i32
          %dma_wait3A_145 = tpu.memref_slice %arg12[%dma_wait3A_143, %dma_wait3A_144] : memref<10240x128xf32, #tpu.memory_space<vmem_shared>> -> memref<10240x128xf32, #tpu.memory_space<vmem_shared>>
          tpu.wait_indirect_dma semaphore(%run_scoped3A : memref<!tpu.dma_semaphore, #tpu.memory_space<semaphore_mem>>) src(%arg10 : memref<64x128xf32, #tpu.memory_space<vmem>>) dst(%dma_wait3A_145 : memref<10240x128xf32, #tpu.memory_space<vmem_shared>>)
          tpu.yield
        }) : () -> ()
        %add3A_116 = arith.constant 3 : i32
        %add3A_117 = arith.addi %multiple_of3A_69, %add3A_116 : i32
        %dma_wait3A_118 = arith.constant 0 : i32
        %dma_wait3A_119 = tpu.memref_slice %arg6[%add3A_117, %dma_wait3A_118] : memref<40x64xi32, #tpu.memory_space<vmem>> -> memref<1x64xi32, #tpu.memory_space<vmem>>
        %dma_wait3A_120 = tpu.memref_squeeze %dma_wait3A_119 : memref<1x64xi32, #tpu.memory_space<vmem>> -> memref<64xi32, #tpu.memory_space<vmem>>
        %dma_wait3A_121 = arith.constant 0 : i32
        %dma_wait3A_122 = arith.constant 0 : i32
        %dma_wait3A_123 = tpu.memref_slice %arg4[%dma_wait3A_121, %dma_wait3A_122] : memref<10000x128xf32, #tpu.memory_space<hbm>> -> memref<10000x128xf32, #tpu.memory_space<hbm>>
        tpu.wait_indirect_dma semaphore(%arg16 : memref<!tpu.dma_semaphore, #tpu.memory_space<semaphore_mem>>) src(%dma_wait3A_123 : memref<10000x128xf32, #tpu.memory_space<hbm>>) dst(%arg11 : memref<64x128xf32, #tpu.memory_space<vmem>>)
        %add3A_124 = arith.constant 4 : i32
        %add3A_125 = arith.addi %add3A_117, %add3A_124 : i32
        %sub3A_126 = arith.constant 1 : i32
        %sub3A_127 = arith.subi %add3A_125, %sub3A_126 : i32
        %lt3A_128 = arith.constant 40 : i32
        %lt3A_129 = arith.cmpi slt, %sub3A_127, %lt3A_128 : i32
        %convert_element_type3A_130 = arith.extui %lt3A_129 : i1 to i32
        %cond3A_131 = arith.constant 0 : i32
        %cond3A_132 = arith.cmpi ne, %convert_element_type3A_130, %cond3A_131 : i32
        scf.if %cond3A_132 {
          %add3A_134 = arith.constant 4 : i32
          %add3A_135 = arith.addi %add3A_117, %add3A_134 : i32
          %sub3A_136 = arith.constant 1 : i32
          %sub3A_137 = arith.subi %add3A_135, %sub3A_136 : i32
          %dma_start3A_138 = arith.constant 0 : i32
          %dma_start3A_139 = tpu.memref_slice %arg6[%sub3A_137, %dma_start3A_138] : memref<40x64xi32, #tpu.memory_space<vmem>> -> memref<1x64xi32, #tpu.memory_space<vmem>>
          %dma_start3A_140 = tpu.memref_squeeze %dma_start3A_139 : memref<1x64xi32, #tpu.memory_space<vmem>> -> memref<64xi32, #tpu.memory_space<vmem>>
          %dma_start3A_141 = arith.constant 0 : i32
          %dma_start3A_142 = arith.constant 0 : i32
          %dma_start3A_143 = tpu.memref_slice %arg4[%dma_start3A_141, %dma_start3A_142] : memref<10000x128xf32, #tpu.memory_space<hbm>> -> memref<10000x128xf32, #tpu.memory_space<hbm>>
          tpu.enqueue_indirect_dma source(%dma_start3A_143 : memref<10000x128xf32, #tpu.memory_space<hbm>>) target(%arg10 : memref<64x128xf32, #tpu.memory_space<vmem>>) offsets(%dma_start3A_140 : memref<64xi32, #tpu.memory_space<vmem>>) semaphore(%arg15 : memref<!tpu.dma_semaphore, #tpu.memory_space<semaphore_mem>>)
        } else {
        }
        "tpu.region"() ({
          %run_scoped3A = tpu.sem_alloc : memref<!tpu.dma_semaphore, #tpu.memory_space<semaphore_mem>>
          %dma_start3A_134 = arith.constant 0 : i32
          %dma_start3A_135 = tpu.memref_slice %arg7[%add3A_117, %dma_start3A_134] : memref<40x64xi32, #tpu.memory_space<vmem>> -> memref<1x64xi32, #tpu.memory_space<vmem>>
          %dma_start3A_136 = tpu.memref_squeeze %dma_start3A_135 : memref<1x64xi32, #tpu.memory_space<vmem>> -> memref<64xi32, #tpu.memory_space<vmem>>
          %dma_start3A_137 = arith.constant 0 : i32
          %dma_start3A_138 = arith.constant 0 : i32
          %dma_start3A_139 = tpu.memref_slice %arg12[%dma_start3A_137, %dma_start3A_138] : memref<10240x128xf32, #tpu.memory_space<vmem_shared>> -> memref<10240x128xf32, #tpu.memory_space<vmem_shared>>
          tpu.enqueue_indirect_dma source(%arg11 : memref<64x128xf32, #tpu.memory_space<vmem>>) target(%dma_start3A_139 : memref<10240x128xf32, #tpu.memory_space<vmem_shared>>) offsets(%dma_start3A_136 : memref<64xi32, #tpu.memory_space<vmem>>) semaphore(%run_scoped3A : memref<!tpu.dma_semaphore, #tpu.memory_space<semaphore_mem>>) {add = true}
          %dma_wait3A_140 = arith.constant 0 : i32
          %dma_wait3A_141 = tpu.memref_slice %arg7[%add3A_117, %dma_wait3A_140] : memref<40x64xi32, #tpu.memory_space<vmem>> -> memref<1x64xi32, #tpu.memory_space<vmem>>
          %dma_wait3A_142 = tpu.memref_squeeze %dma_wait3A_141 : memref<1x64xi32, #tpu.memory_space<vmem>> -> memref<64xi32, #tpu.memory_space<vmem>>
          %dma_wait3A_143 = arith.constant 0 : i32
          %dma_wait3A_144 = arith.constant 0 : i32
          %dma_wait3A_145 = tpu.memref_slice %arg12[%dma_wait3A_143, %dma_wait3A_144] : memref<10240x128xf32, #tpu.memory_space<vmem_shared>> -> memref<10240x128xf32, #tpu.memory_space<vmem_shared>>
          tpu.wait_indirect_dma semaphore(%run_scoped3A : memref<!tpu.dma_semaphore, #tpu.memory_space<semaphore_mem>>) src(%arg11 : memref<64x128xf32, #tpu.memory_space<vmem>>) dst(%dma_wait3A_145 : memref<10240x128xf32, #tpu.memory_space<vmem_shared>>)
          tpu.yield
        }) : () -> ()
        %scan3A_133 = arith.constant 0 : i32
        scf.yield %scan3A_133 : i32
      }
      %scan3A_63 = arith.constant 10 : i32
      %scan3A_64 = arith.constant 0 : i32
      scf.yield %scan3A_64 : i32
    }
    %scan3A_23 = arith.constant 4 : i32
    %barrier3A_24 = arith.constant 0 : index
    tpu.barrier barrier_id(%barrier3A_24)
    %scan3A_25 = arith.constant 0 : i32
    %scan3A_26 = arith.constant 0 : i32
    %scan3A_27 = arith.constant 10 : i32
    %scan3A_28 = arith.addi %scan3A_26, %scan3A_27 : i32
    %scan3A_29 = arith.constant 1 : i32
    %scan3A_30 = scf.for %scan3A_32 = %scan3A_26 to %scan3A_28 step %scan3A_29 iter_args(%scan3A_33 = %scan3A_25) -> (i32)  : i32 {
      %mul3A_34 = arith.constant 64 : i32
      %mul3A_35 = arith.muli %scan3A_32, %mul3A_34 : i32
      %add3A_36 = arith.addi %multiple_of3A, %mul3A_35 : i32
      %multiple_of3A_37 = tpu.assume_multiple %add3A_36, 64 : i32
      "tpu.region"() ({
        %run_scoped3A = tpu.sem_alloc : memref<!tpu.dma_semaphore, #tpu.memory_space<semaphore_mem>>
        %dma_start3A = arith.constant 0 : i32
        %dma_start3A_39 = tpu.memref_slice %arg5[%arg0, %multiple_of3A_37, %dma_start3A] : memref<2x10240x128xf32, #tpu.memory_space<hbm>> -> memref<1x64x128xf32, #tpu.memory_space<hbm>>
        %dma_start3A_40 = tpu.memref_squeeze %dma_start3A_39 : memref<1x64x128xf32, #tpu.memory_space<hbm>> -> memref<64x128xf32, #tpu.memory_space<hbm>>
        %dma_start3A_41 = arith.constant 0 : i32
        %dma_start3A_42 = tpu.memref_slice %arg12[%multiple_of3A_37, %dma_start3A_41] : memref<10240x128xf32, #tpu.memory_space<vmem_shared>> -> memref<64x128xf32, #tpu.memory_space<vmem_shared>>
        tpu.enqueue_dma source(%dma_start3A_42 : memref<64x128xf32, #tpu.memory_space<vmem_shared>>) target(%dma_start3A_40 : memref<64x128xf32, #tpu.memory_space<hbm>>) target_semaphore(%run_scoped3A : memref<!tpu.dma_semaphore, #tpu.memory_space<semaphore_mem>>)
        %dma_wait3A = arith.constant 0 : i32
        %dma_wait3A_43 = tpu.memref_slice %arg5[%arg0, %multiple_of3A_37, %dma_wait3A] : memref<2x10240x128xf32, #tpu.memory_space<hbm>> -> memref<1x64x128xf32, #tpu.memory_space<hbm>>
        %dma_wait3A_44 = tpu.memref_squeeze %dma_wait3A_43 : memref<1x64x128xf32, #tpu.memory_space<hbm>> -> memref<64x128xf32, #tpu.memory_space<hbm>>
        %dma_wait3A_45 = arith.constant 0 : i32
        %dma_wait3A_46 = tpu.memref_slice %arg12[%multiple_of3A_37, %dma_wait3A_45] : memref<10240x128xf32, #tpu.memory_space<vmem_shared>> -> memref<64x128xf32, #tpu.memory_space<vmem_shared>>
        tpu.wait_dma2 semaphore(%run_scoped3A : memref<!tpu.dma_semaphore, #tpu.memory_space<semaphore_mem>>) src(%dma_wait3A_46 : memref<64x128xf32, #tpu.memory_space<vmem_shared>>) dst(%dma_wait3A_44 : memref<64x128xf32, #tpu.memory_space<hbm>>)
        tpu.yield
      }) : () -> ()
      %scan3A_38 = arith.constant 0 : i32
      scf.yield %scan3A_38 : i32
    }
    %scan3A_31 = arith.constant 10 : i32
    return
  }
}

module attributes {stable_mosaic.version = 14 : i64} {
  func.func @_hist_body(%arg0: i32, %arg1: memref<1x1x2000xi32, #tpu.memory_space<vmem>>, %arg2: memref<2000x1xi32, #tpu.memory_space<vmem>>, %arg3: memref<80x128xf32, #tpu.memory_space<vmem>>) attributes {dimension_semantics = [#tpu.dimension_semantics<arbitrary>], iteration_bounds = array<i64: 160>, scalar_prefetch = 0 : i64, scratch_operands = 0 : i64, tpu.core_type = #tpu.core_type<tc>, window_params = [{transform_indices = @transform_0, window_bounds = array<i64: 1, 1, 2000>}, {transform_indices = @transform_1, window_bounds = array<i64: 2000, 1>}, {pipeline_mode = #tpu.pipeline_mode<synchronous>, transform_indices = @transform_2, window_bounds = array<i64: 80, 128>}]} {
    %eq3A = arith.constant 0 : i32
    %eq3A_0 = arith.cmpi eq, %arg0, %eq3A : i32
    %convert_element_type3A = arith.extui %eq3A_0 : i1 to i32
    %cond3A = arith.constant 0 : i32
    %cond3A_1 = arith.cmpi ne, %convert_element_type3A, %cond3A : i32
    scf.if %cond3A_1 {
      %broadcast_in_dim3A = arith.constant 0.000000e+00 : f32
      %broadcast_in_dim3A_68 = vector.broadcast %broadcast_in_dim3A : f32 to vector<80x128xf32>
      %swap3A_69 = arith.constant 0 : index
      %swap3A_70 = arith.constant 0 : index
      %swap3A_71 = vector.load %arg3[%swap3A_69, %swap3A_70] : memref<80x128xf32, #tpu.memory_space<vmem>>, vector<80x128xf32>
      tpu.vector_store %arg3[%swap3A_69, %swap3A_70], %broadcast_in_dim3A_68 {strides = array<i32>} : memref<80x128xf32, #tpu.memory_space<vmem>>, vector<80x128xf32>,
    } else {
    }
    %get3A = arith.constant 0 : index
    %get3A_2 = arith.constant 0 : index
    %get3A_3 = arith.constant 0 : index
    %get3A_4 = vector.load %arg1[%get3A, %get3A_2, %get3A_3] : memref<1x1x2000xi32, #tpu.memory_space<vmem>>, vector<1x1x2000xi32>
    %get3A_5 = vector.shape_cast %get3A_4 : vector<1x1x2000xi32> to vector<1x2000xi32>
    %get3A_6 = arith.constant 0 : index
    %get3A_7 = arith.constant 0 : index
    %get3A_8 = vector.load %arg2[%get3A_6, %get3A_7] : memref<2000x1xi32, #tpu.memory_space<vmem>>, vector<2000x1xi32>
    %jit3A = arith.constant 128 : i32
    %div3A = vector.broadcast %jit3A : i32 to vector<1x2000xi32>
    %div3A_9 = arith.divsi %get3A_5, %div3A : vector<1x2000xi32>
    %sign3A = arith.constant 0 : i32
    %sign3A_10 = vector.broadcast %sign3A : i32 to vector<1x2000xi32>
    %sign3A_11 = arith.cmpi sgt, %get3A_5, %sign3A_10 : vector<1x2000xi32>
    %sign3A_12 = arith.extui %sign3A_11 : vector<1x2000xi1> to vector<1x2000xi32>
    %sign3A_13 = arith.constant 0 : i32
    %sign3A_14 = vector.broadcast %sign3A_13 : i32 to vector<1x2000xi32>
    %sign3A_15 = arith.cmpi slt, %get3A_5, %sign3A_14 : vector<1x2000xi32>
    %sign3A_16 = arith.extui %sign3A_15 : vector<1x2000xi1> to vector<1x2000xi32>
    %sign3A_17 = arith.subi %sign3A_12, %sign3A_16 : vector<1x2000xi32>
    %sign3A_18 = arith.constant 0 : i32
    %sign3A_19 = arith.cmpi sgt, %jit3A, %sign3A_18 : i32
    %sign3A_20 = arith.extui %sign3A_19 : i1 to i32
    %sign3A_21 = arith.constant 0 : i32
    %sign3A_22 = arith.cmpi slt, %jit3A, %sign3A_21 : i32
    %sign3A_23 = arith.extui %sign3A_22 : i1 to i32
    %sign3A_24 = arith.subi %sign3A_20, %sign3A_23 : i32
    %ne3A = vector.broadcast %sign3A_24 : i32 to vector<1x2000xi32>
    %ne3A_25 = arith.cmpi ne, %sign3A_17, %ne3A : vector<1x2000xi32>
    %rem3A = vector.broadcast %jit3A : i32 to vector<1x2000xi32>
    %rem3A_26 = arith.remsi %get3A_5, %rem3A : vector<1x2000xi32>
    %ne3A_27 = arith.constant 0 : i32
    %ne3A_28 = vector.broadcast %ne3A_27 : i32 to vector<1x2000xi32>
    %ne3A_29 = arith.cmpi ne, %rem3A_26, %ne3A_28 : vector<1x2000xi32>
    %and3A = arith.andi %ne3A_25, %ne3A_29 : vector<1x2000xi1>
    %sub3A = arith.constant 1 : i32
    %sub3A_30 = vector.broadcast %sub3A : i32 to vector<1x2000xi32>
    %sub3A_31 = arith.subi %div3A_9, %sub3A_30 : vector<1x2000xi32>
    %select_n3A = arith.select %and3A, %sub3A_31, %div3A_9 : vector<1x2000xi1>, vector<1x2000xi32>
    %jit3A_32 = arith.constant 128 : i32
    %eq3A_33 = arith.constant 0 : i32
    %eq3A_34 = arith.cmpi eq, %jit3A_32, %eq3A_33 : i32
    %jit3A_35 = arith.constant 1 : i32
    %select_n3A_36 = arith.select %eq3A_34, %jit3A_35, %jit3A_32 : i32
    %rem3A_37 = vector.broadcast %select_n3A_36 : i32 to vector<2000x1xi32>
    %rem3A_38 = arith.remsi %get3A_8, %rem3A_37 : vector<2000x1xi32>
    %ne3A_39 = arith.constant 0 : i32
    %ne3A_40 = vector.broadcast %ne3A_39 : i32 to vector<2000x1xi32>
    %ne3A_41 = arith.cmpi ne, %rem3A_38, %ne3A_40 : vector<2000x1xi32>
    %lt3A = arith.constant 0 : i32
    %lt3A_42 = vector.broadcast %lt3A : i32 to vector<2000x1xi32>
    %lt3A_43 = arith.cmpi slt, %rem3A_38, %lt3A_42 : vector<2000x1xi32>
    %lt3A_44 = arith.constant 0 : i32
    %lt3A_45 = arith.cmpi slt, %select_n3A_36, %lt3A_44 : i32
    %ne3A_46 = vector.broadcast %lt3A_45 : i1 to vector<2000x1xi1>
    %ne3A_47 = vector.broadcast %ne3A_46 : vector<2000x1xi1> to vector<2000x1xi1>
    %ne3A_48 = arith.xori %lt3A_43, %ne3A_47 : vector<2000x1xi1>
    %and3A_49 = arith.andi %ne3A_48, %ne3A_41 : vector<2000x1xi1>
    %add3A = vector.broadcast %select_n3A_36 : i32 to vector<2000x1xi32>
    %add3A_50 = arith.addi %rem3A_38, %add3A : vector<2000x1xi32>
    %select_n3A_51 = arith.select %and3A_49, %add3A_50, %rem3A_38 : vector<2000x1xi1>, vector<2000x1xi32>
    %iota3A = tpu.iota {dimensions = array<i32: 0>} : vector<80x2000xi32>
    %eq3A_52 = vector.broadcast %select_n3A : vector<1x2000xi32> to vector<80x2000xi32>
    %eq3A_53 = arith.cmpi eq, %iota3A, %eq3A_52 : vector<80x2000xi32>
    %iota3A_54 = tpu.iota {dimensions = array<i32: 1>} : vector<2000x128xi32>
    %eq3A_55 = vector.broadcast %select_n3A_51 : vector<2000x1xi32> to vector<2000x128xi32>
    %eq3A_56 = arith.cmpi eq, %iota3A_54, %eq3A_55 : vector<2000x128xi32>
    %get3A_57 = arith.constant 0 : index
    %get3A_58 = arith.constant 0 : index
    %get3A_59 = vector.load %arg3[%get3A_57, %get3A_58] : memref<80x128xf32, #tpu.memory_space<vmem>>, vector<80x128xf32>
    %convert_element_type3A_60 = arith.extui %eq3A_53 : vector<80x2000xi1> to vector<80x2000xi32>
    %convert_element_type3A_61 = arith.sitofp %convert_element_type3A_60 : vector<80x2000xi32> to vector<80x2000xf32>
    %convert_element_type3A_62 = arith.extui %eq3A_56 : vector<2000x128xi1> to vector<2000x128xi32>
    %convert_element_type3A_63 = arith.sitofp %convert_element_type3A_62 : vector<2000x128xi32> to vector<2000x128xf32>
    %dot_general3A = arith.constant dense<0.000000e+00> : vector<80x128xf32>
    %dot_general3A_64 = tpu.matmul %convert_element_type3A_61, %convert_element_type3A_63, %dot_general3A {dimension_numbers = #tpu.dot_dimension_numbers<[1], [0], [0], [1], [0, 0, 1, 1], [], []>, transpose_lhs_hint = false} : vector<80x2000xf32>, vector<2000x128xf32>, vector<80x128xf32> -> vector<80x128xf32>
    %add3A_65 = arith.addf %get3A_59, %dot_general3A_64 : vector<80x128xf32>
    %swap3A = arith.constant 0 : index
    %swap3A_66 = arith.constant 0 : index
    %swap3A_67 = vector.load %arg3[%swap3A, %swap3A_66] : memref<80x128xf32, #tpu.memory_space<vmem>>, vector<80x128xf32>
    tpu.vector_store %arg3[%swap3A, %swap3A_66], %add3A_65 {strides = array<i32>} : memref<80x128xf32, #tpu.memory_space<vmem>>, vector<80x128xf32>,
    return
  }
  func.func @transform_0(%arg0: i32) -> (i32, i32, i32) {
    %c0_i32 = arith.constant 0 : i32
    %c0_i32_0 = arith.constant 0 : i32
    %c0_i32_1 = arith.constant 0 : i32
    return %arg0, %c0_i32, %c0_i32_0 : i32, i32, i32
  }
  func.func @transform_1(%arg0: i32) -> (i32, i32) {
    %c0_i32 = arith.constant 0 : i32
    %c0_i32_0 = arith.constant 0 : i32
    return %arg0, %c0_i32 : i32, i32
  }
  func.func @transform_2(%arg0: i32) -> (i32, i32) {
    %c0_i32 = arith.constant 0 : i32
    %c0_i32_0 = arith.constant 0 : i32
    %c0_i32_1 = arith.constant 0 : i32
    return %c0_i32, %c0_i32_0 : i32, i32
  }
}

module attributes {stable_mosaic.version = 14 : i64} {
  func.func @_tc_body(%arg0: i32, %arg1: memref<400x128xf32, #tpu.memory_space<vmem>>, %arg2: memref<2x400x128xf32, #tpu.memory_space<vmem>>, %arg3: memref<400x1xf32, #tpu.memory_space<vmem>>, %arg4: memref<128x128xf32, #tpu.memory_space<vmem>>, %arg5: memref<128x128xf32, #tpu.memory_space<vmem>>, %arg6: memref<1x128xf32, #tpu.memory_space<vmem>>, %arg7: memref<400x128xf32, #tpu.memory_space<vmem>>) attributes {dimension_semantics = [#tpu.dimension_semantics<arbitrary>], iteration_bounds = array<i64: 25>, scalar_prefetch = 0 : i64, scratch_operands = 0 : i64, tpu.core_type = #tpu.core_type<tc>, window_params = [{transform_indices = @transform_0, window_bounds = array<i64: 400, 128>}, {transform_indices = @transform_1, window_bounds = array<i64: 2, 400, 128>}, {transform_indices = @transform_2, window_bounds = array<i64: 400, 1>}, {pipeline_mode = #tpu.pipeline_mode<synchronous>, transform_indices = @transform_3, window_bounds = array<i64: 128, 128>}, {pipeline_mode = #tpu.pipeline_mode<synchronous>, transform_indices = @transform_4, window_bounds = array<i64: 128, 128>}, {pipeline_mode = #tpu.pipeline_mode<synchronous>, transform_indices = @transform_5, window_bounds = array<i64: 1, 128>}, {transform_indices = @transform_6, window_bounds = array<i64: 400, 128>}]} {
    %get3A = arith.constant 0 : index
    %get3A_0 = arith.constant 0 : index
    %get3A_1 = vector.load %arg3[%get3A, %get3A_0] : memref<400x1xf32, #tpu.memory_space<vmem>>, vector<400x1xf32>
    %get3A_2 = arith.constant 0 : index
    %get3A_3 = arith.constant 0 : index
    %get3A_4 = arith.constant 0 : index
    %get3A_5 = vector.load %arg2[%get3A_2, %get3A_3, %get3A_4] : memref<2x400x128xf32, #tpu.memory_space<vmem>>, vector<1x400x128xf32>
    %get3A_6 = vector.shape_cast %get3A_5 : vector<1x400x128xf32> to vector<400x128xf32>
    %get3A_7 = arith.constant 1 : index
    %get3A_8 = arith.constant 0 : index
    %get3A_9 = arith.constant 0 : index
    %get3A_10 = vector.load %arg2[%get3A_7, %get3A_8, %get3A_9] : memref<2x400x128xf32, #tpu.memory_space<vmem>>, vector<1x400x128xf32>
    %get3A_11 = vector.shape_cast %get3A_10 : vector<1x400x128xf32> to vector<400x128xf32>
    %add3A = arith.addf %get3A_6, %get3A_11 : vector<400x128xf32>
    %max3A = arith.constant 1.000000e+00 : f32
    %max3A_12 = vector.broadcast %max3A : f32 to vector<400x1xf32>
    %max3A_13 = arith.maximumf %get3A_1, %max3A_12 : vector<400x1xf32>
    %div3A = vector.broadcast %max3A_13 : vector<400x1xf32> to vector<400x128xf32>
    %div3A_14 = arith.divf %add3A, %div3A : vector<400x128xf32>
    %get3A_15 = arith.constant 0 : index
    %get3A_16 = arith.constant 0 : index
    %get3A_17 = vector.load %arg1[%get3A_15, %get3A_16] : memref<400x128xf32, #tpu.memory_space<vmem>>, vector<400x128xf32>
    %get3A_18 = arith.constant 0 : index
    %get3A_19 = arith.constant 0 : index
    %get3A_20 = vector.load %arg4[%get3A_18, %get3A_19] : memref<128x128xf32, #tpu.memory_space<vmem>>, vector<128x128xf32>
    %dot_general3A = arith.constant dense<0.000000e+00> : vector<400x128xf32>
    %dot_general3A_21 = tpu.matmul %get3A_17, %get3A_20, %dot_general3A {dimension_numbers = #tpu.dot_dimension_numbers<[1], [0], [0], [1], [0, 0, 1, 1], [], []>, transpose_lhs_hint = false} : vector<400x128xf32>, vector<128x128xf32>, vector<400x128xf32> -> vector<400x128xf32>
    %get3A_22 = arith.constant 0 : index
    %get3A_23 = arith.constant 0 : index
    %get3A_24 = vector.load %arg5[%get3A_22, %get3A_23] : memref<128x128xf32, #tpu.memory_space<vmem>>, vector<128x128xf32>
    %dot_general3A_25 = arith.constant dense<0.000000e+00> : vector<400x128xf32>
    %dot_general3A_26 = tpu.matmul %div3A_14, %get3A_24, %dot_general3A_25 {dimension_numbers = #tpu.dot_dimension_numbers<[1], [0], [0], [1], [0, 0, 1, 1], [], []>, transpose_lhs_hint = false} : vector<400x128xf32>, vector<128x128xf32>, vector<400x128xf32> -> vector<400x128xf32>
    %add3A_27 = arith.addf %dot_general3A_21, %dot_general3A_26 : vector<400x128xf32>
    %get3A_28 = arith.constant 0 : index
    %get3A_29 = arith.constant 0 : index
    %get3A_30 = vector.load %arg6[%get3A_28, %get3A_29] : memref<1x128xf32, #tpu.memory_space<vmem>>, vector<1x128xf32>
    %add3A_31 = vector.broadcast %get3A_30 : vector<1x128xf32> to vector<400x128xf32>
    %add3A_32 = arith.addf %add3A_27, %add3A_31 : vector<400x128xf32>
    %swap3A = arith.constant 0 : index
    %swap3A_33 = arith.constant 0 : index
    %swap3A_34 = vector.load %arg7[%swap3A, %swap3A_33] : memref<400x128xf32, #tpu.memory_space<vmem>>, vector<400x128xf32>
    tpu.vector_store %arg7[%swap3A, %swap3A_33], %add3A_32 {strides = array<i32>} : memref<400x128xf32, #tpu.memory_space<vmem>>, vector<400x128xf32>,
    return
  }
  func.func @transform_0(%arg0: i32) -> (i32, i32) {
    %c0_i32 = arith.constant 0 : i32
    %c0_i32_0 = arith.constant 0 : i32
    return %arg0, %c0_i32 : i32, i32
  }
  func.func @transform_1(%arg0: i32) -> (i32, i32, i32) {
    %c0_i32 = arith.constant 0 : i32
    %c0_i32_0 = arith.constant 0 : i32
    %c0_i32_1 = arith.constant 0 : i32
    return %c0_i32, %arg0, %c0_i32_0 : i32, i32, i32
  }
  func.func @transform_2(%arg0: i32) -> (i32, i32) {
    %c0_i32 = arith.constant 0 : i32
    %c0_i32_0 = arith.constant 0 : i32
    return %arg0, %c0_i32 : i32, i32
  }
  func.func @transform_3(%arg0: i32) -> (i32, i32) {
    %c0_i32 = arith.constant 0 : i32
    %c0_i32_0 = arith.constant 0 : i32
    %c0_i32_1 = arith.constant 0 : i32
    return %c0_i32, %c0_i32_0 : i32, i32
  }
  func.func @transform_4(%arg0: i32) -> (i32, i32) {
    %c0_i32 = arith.constant 0 : i32
    %c0_i32_0 = arith.constant 0 : i32
    %c0_i32_1 = arith.constant 0 : i32
    return %c0_i32, %c0_i32_0 : i32, i32
  }
  func.func @transform_5(%arg0: i32) -> (i32, i32) {
    %c0_i32 = arith.constant 0 : i32
    %c0_i32_0 = arith.constant 0 : i32
    %c0_i32_1 = arith.constant 0 : i32
    return %c0_i32, %c0_i32_0 : i32, i32
  }
  func.func @transform_6(%arg0: i32) -> (i32, i32) {
    %c0_i32 = arith.constant 0 : i32
    %c0_i32_0 = arith.constant 0 : i32
    return %arg0, %c0_i32 : i32, i32
  }
}

</mosaic_0001>

<sc_bundles>
// kernel: kernel.5.cloned.1.call-start
scs
__scs_entry_jumppad:
0x0: {  	(pc) =	sbr.rel $0x88, $3  }
0x1: {  	(tag) =	ssettag $0x0;
	lr =	simm.s32 $0x1  }
0x2: {  	[smem:$0x3F9B] =	sst lr;
	_ =	strace $0xD0000000  }
0x3: {  	_ = 	snop  }
0x4: {  	_ = 	snop  }
0x5: {  	_ = 	snop  }
0x6: {  	_ = 	snop  }
0x7: {  	_ = 	snop  }
__scs_overlays_trampoline_lowered:
0x8: {  	[smem:$0x3FAA] =	sst s0  }
0x9: {  	[smem:$0x3FAB] =	sst s1  }
0xa: {  	[smem:$0x3FAC] =	sst s2  }
0xb: {  	[smem:$0x3FAD] =	sst s3  }
0xc: {  	[smem:$0x3FAE] =	sst s4  }
0xd: {  	[smem:$0x3FAF] =	sst s5  }
0xe: {  	[smem:$0x3FB0] =	sst s6  }
0xf: {  	[smem:$0x3FB1] =	sst s7  }
0x10: {  	[smem:$0x3FB2] =	sst s8  }
0x11: {  	[smem:$0x3FB3] =	sst s9;
	s0 =	simm.s32 @!p0 $0x0  }
0x12: {  	s1 =	sld [smem:$0x3F99];
	s0 =	simm.s32 @p0 $0x1  }
0x13: {  	[smem:$0x3FB4] =	sst s0;
	s0 =	simm.s32 @!p1 $0x0  }
0x14: {  	s2 =	sld [smem:$0x3F98];
	s0 =	simm.s32 @p1 $0x1  }
0x15: {  	[smem:$0x3FB5] =	sst s0;
	s0 =	simm.s32 @!p2 $0x0  }
0x16: {  	s3 =	sld [smem:$0x3FDB];
	s0 =	simm.s32 @p2 $0x1  }
0x17: {  	s4 =	simm.s32 $0x1BF5;
	[smem:$0x3FB7] =	sst s0  }
0x18: {  	s0 =	sld [smem:$0x3F9A];
	_ =	swait.ge [sflag:s4], $0x0  }
0x19: {  	s7 =	sld [smem:$0x3F9B]  }
0x1a: {  	s8 =	sadd.s32 $0xFFFFE003, lr  }
0x1b: {  	s9 =	sadd.s32 $0xFFFFFEF7, lr;
	s5 =	simm.s32 $0xFFFFFFFF;
	p2 =	slt.u32 s8, $0xFFFFF086  }
0x1c: {  	p1 =	slt.u32 s9, $0xF7A;
	s5 =	simm.s32 @!p2 $0x0  }
0x1d: {  	s5 =	simm.s32 @p1 $0x1;
	p0 =	seq.s32 s7, s2  }
0x1e: {  	s7 =	smul.u32 @!p0 $0xF7A, s2;
	p2 =	seq.s32 @!p0 s5, $0x0  }
0x1f: {  	s9 =	smul.u32 $0xF7A, s1;
	s8 =	simm.s32 @!p0 $0x1BF5;
	p2 =	por !p2, p0  }
0x20: {  	[sflag:s8] =	ssyncset.s32 @!p0 $0xFFFFF086;
	s6 =	sadd.s32 @!p0 s3, s7;
	s7 =	simm.s32 @!p0 $0x108  }
0x21: {  	s3 =	sadd.s32 s3, s9;
	s6 =	sadd.s32 @!p0 $0x88, s6;
	s7 =	simm.s32 @p2 $0x1082  }
0x22: {  	[simem:s7], [sflag:s8] =	dma.local @!p0 [hbm:s6], $0xF7A  }
0x23: {  	s9 =	sor.u32 $0xD0000000, s2;
	s6 =	simm.s32 $0x108;
	_ =	swait.ge @!p0 [sflag:s8], $0x0  }
0x24: {  	s3 =	sadd.s32 $0x88, s3;
	s6 =	simm.s32 @!p1 $0x1082;
	[sflag:s4] =	ssyncset.s32 $0xFFFFF086  }
0x25: {  	[simem:s6], [sflag:s4] =	dma.local [hbm:s3], $0xF7A  }
0x26: {  	[smem:$0x3F9B] =	sst s1;
	(tag) =	ssettag s2;
	_ =	strace s9  }
0x27: {  	s1 =	sld [smem:$0x3FAB]  }
0x28: {  	s2 =	sld [smem:$0x3FAC]  }
0x29: {  	s4 =	sld [smem:$0x3FAE]  }
0x2a: {  	p0 =	seq.s32 s5, $0x0;
	s5 =	sld [smem:$0x3FAF]  }
0x2b: {  	s6 =	sld [smem:$0x3FB0]  }
0x2c: {  	s7 =	sld [smem:$0x3FB1]  }
0x2d: {  	s3 =	simm.s32 $0x108;
	s8 =	sld [smem:$0x3FB2]  }
0x2e: {  	s3 =	simm.s32 @!p0 $0x1082;
	s9 =	sld [smem:$0x3FB3]  }
0x2f: {  	lr =	sadd.s32 s0, s3;
	s0 =	sld [smem:$0x3FAA]  }
0x30: {  	s3 =	sld [smem:$0x3FAD]  }
0x31: {  	[smem:$0x3FB6] =	sst s10  }
0x32: {  	s10 =	sld [smem:$0x3FB4];
	_ =	sdelay $0x3  }
0x33: {  	p0 =	seq.s32 s10, $0x1;
	s10 =	sld [smem:$0x3FB6];
	_ =	sdelay $0x3  }
0x34: {  	[smem:$0x3FB6] =	sst s10  }
0x35: {  	s10 =	sld [smem:$0x3FB5];
	_ =	sdelay $0x3  }
0x36: {  	p1 =	seq.s32 s10, $0x1;
	s10 =	sld [smem:$0x3FB6];
	_ =	sdelay $0x3  }
0x37: {  	[smem:$0x3FB6] =	sst s10  }
0x38: {  	s10 =	sld [smem:$0x3FB7]  }
0x39: {  	_ = 	snop;
	(pc) =	sbr.ind lr, $3  }
0x3a: {  	_ = 	snop  }
0x3b: {  	_ = 	snop  }
0x3c: {  	p2 =	seq.s32 s10, $0x1;
	s10 =	sld [smem:$0x3FB6]  }
0x3d: {  	_ =	shalt  }
0x3e: {  	_ =	shalt  }
0x3f: {  	_ =	shalt  }
0x40: {  	_ =	shalt  }
0x41: {  	_ =	shalt  }
0x42: {  	_ =	shalt  }
0x43: {  	_ =	shalt  }
0x44: {  	_ =	shalt  }
0x45: {  	_ =	shalt  }
0x46: {  	_ =	shalt  }
0x47: {  	_ =	shalt  }
0x48: {  	_ =	shalt  }
0x49: {  	_ =	shalt  }
0x4a: {  	_ =	shalt  }
0x4b: {  	_ =	shalt  }
0x4c: {  	_ =	shalt  }
0x4d: {  	_ =	shalt  }
0x4e: {  	_ =	shalt  }
0x4f: {  	_ =	shalt  }
0x50: {  	_ =	shalt  }
0x51: {  	_ =	shalt  }
0x52: {  	_ =	shalt  }
0x53: {  	_ =	shalt  }
0x54: {  	_ =	shalt  }
0x55: {  	_ =	shalt  }
0x56: {  	_ =	shalt  }
0x57: {  	_ =	shalt  }
0x58: {  	_ =	shalt  }
0x59: {  	_ =	shalt  }
0x5a: {  	_ =	shalt  }
0x5b: {  	_ =	shalt  }
0x5c: {  	_ =	shalt  }
0x5d: {  	_ =	shalt  }
0x5e: {  	_ =	shalt  }
0x5f: {  	_ =	shalt  }
0x60: {  	_ =	shalt  }
0x61: {  	_ =	shalt  }
0x62: {  	_ =	shalt  }
0x63: {  	_ =	shalt  }
0x64: {  	_ =	shalt  }
0x65: {  	_ =	shalt  }
0x66: {  	_ =	shalt  }
0x67: {  	_ =	shalt  }
0x68: {  	_ =	shalt  }
0x69: {  	_ =	shalt  }
0x6a: {  	_ =	shalt  }
0x6b: {  	_ =	shalt  }
0x6c: {  	_ =	shalt  }
0x6d: {  	_ =	shalt  }
0x6e: {  	_ =	shalt  }
0x6f: {  	_ =	shalt  }
0x70: {  	_ =	shalt  }
0x71: {  	_ =	shalt  }
0x72: {  	_ =	shalt  }
0x73: {  	_ =	shalt  }
0x74: {  	_ =	shalt  }
0x75: {  	_ =	shalt  }
0x76: {  	_ =	shalt  }
0x77: {  	_ =	shalt  }
0x78: {  	_ =	shalt  }
0x79: {  	_ =	shalt  }
0x7a: {  	_ =	shalt  }
0x7b: {  	_ =	shalt  }
0x7c: {  	_ =	shalt  }
0x7d: {  	_ =	shalt  }
0x7e: {  	_ =	shalt  }
0x7f: {  	_ =	shalt  }
0x80: {  	_ =	shalt  }
0x81: {  	_ =	shalt  }
0x82: {  	_ =	shalt  }
0x83: {  	_ =	shalt  }
0x84: {  	_ =	shalt  }
0x85: {  	_ =	shalt  }
0x86: {  	_ =	shalt  }
0x87: {  	_ =	shalt  }
.Lfunc_end0:
.L_simem_size_0:
called_computation_lowered:
.L_overlay_start_0:
0x88: {  	s2 =	sld [smem:$0x3FD9]  }
0x89: {  	s3 =	sld [smem:$0x3FFE];
	_ =	sdelay $0x1  }
0x8a: {  	s1 =	srdreg.scid  }
0x8b: {  	s0 =	sand.u32 $0x1, s1  }
0x8c: {  	s17 =	sshll.u32 s0, $0xA;
	s2 =	sadd.s32 s3, s2  }
0x8d: {  	s2 =	sadd.s32 s2, s17  }
0x8e: {  	[smem:$0x3FC2] =	sst s2  }
0x8f: {  	_ = 	snop  }
0x90: {  	s2 =	sld [smem:$0x3FC9]  }
0x91: {  	s18 =	sld [smem:$0x3FD0];
	(tm) =	ssettm $0x1  }
0x92: {  	s4 =	sld [smem:$0x3FFB];
	_ =	sdelay $0x3  }
0x93: {  	_ =	strace s4  }
0x94: {  	s4 =	sld [smem:$0x3FFC];
	_ =	sdelay $0x3  }
0x95: {  	_ =	strace s4  }
0x96: {  	s4 =	sld [smem:$0x3FFD];
	_ =	sdelay $0x3  }
0x97: {  	_ =	strace s4  }
0x98: {  	_ =	strace $0x8FFFFFFF  }
0x99: {  	s19 =	sld [smem:$0x3FDB];
	_ =	sdelay $0x1  }
0x9a: {  	s5 =	simm.s32 $_scs_section_size  }
0x9b: {  	s6 =	simm.s32 $_size__tile_overlayer_lowered;
	s7 =	simm.s32 $_tile_overlayer_lowered  }
0x9c: {  	s22 =	simm.s32 $0x1BFF;
	s21 =	sshll.u32 s7, $0x1;
	s4 =	sadd.s32 s5, s19  }
0x9d: {  	s8 =	simm.s32 $0x0;
	s20 =	sshll.u32 s6, $0x1;
	s6 =	sadd.s32 s21, s4  }
0x9e: {  	[timem:s8], [sflag:s22] =	dma.local [hbm:s6], s20  }
0x9f: {  	_ =	swait.ge [sflag:s22], s20  }
0xa0: {  	s5 =	ssub.s32 $0x0, s20;
	[sflag:s22] =	ssyncset.done $0x0  }
0xa1: {  	[sflag:s22] =	ssyncadd.s32 s5;
	_ =	sdelay $0x1  }
0xa2: {  	s23 =	simm.s32 $0x1B8B  }
0xa3: {  	_ =	swait.ge [sflag:s23], $0x1  }
0xa4: {  	[sflag:s23] =	ssyncset.done $0x0  }
0xa5: {  	s25 =	simm.s32 $0x1B8E;
	s24 =	sld [smem:$0x3FFE];
	[sflag:s23] =	ssyncadd.s32 $0xFFFFFFFF  }
0xa6: {  	s26 =	simm.s32 $execute0_lowered;
	[smem:$0x3FD2] =	sst s25  }
0xa7: {  	s6 =	sshll.u32 s26, $0x1;
	_ =	strace $0x80000046;
	[dreg:$0x1] =	wrdreg $0xFFFFFFFF  }
0xa8: {  	s28 =	simm.s32 $_size_execute0_lowered;
	s4 =	sadd.s32 s4, s6;
	[dreg:$0x0] =	wrdreg $0x0  }
0xa9: {  	s6 =	sshll.u32 s28, $0x1;
	[dreg:$0x2] =	wrdreg s4  }
0xaa: {  	[dreg:$0x3] =	wrdreg s6  }
0xab: {  	[dreg:$0x4] =	wrdreg $0xC0  }
0xac: {  	_ =	task [dreg:s8], $0x5FFFF  }
0xad: {  	[dreg:$0x1] =	wrdreg $0xFFFFFFFF  }
0xae: {  	[dreg:$0x0] =	wrdreg $0x60  }
0xaf: {  	[dreg:$0x2] =	wrdreg s18  }
0xb0: {  	[dreg:$0x3] =	wrdreg s24  }
0xb1: {  	[dreg:$0x4] =	wrdreg s2  }
0xb2: {  	[dreg:$0x5] =	wrdreg $0xA8000  }
0xb3: {  	[dreg:$0x6] =	wrdreg $0x9  }
0xb4: {  	_ =	task.clear_ibuf [dreg:s8], $0x7FFFF;
	_ =	strace $0x90000046  }
0xb5: {  	s29 =	simm.s32 $0x9;
	_ =	strace $0x80000048  }
0xb6: {  	_ =	swait.ge [sflag:s29], $0x1  }
0xb7: {  	[sflag:s29] =	ssyncadd.s32 $0xFFFFFFFF  }
0xb8: {  	_ =	strace $0x90000048  }
0xb9: {  	_ =	sfence  }
0xba: {  	s30 =	sld [smem:$0x0];
	_ =	sdelay $0x2  }
0xbb: {  	s31 =	sshll.u32 s1, $0xD;
	s1 =	sshrl.u32 s1, $0x2  }
0xbc: {  	s3 =	sand.u32 $0x4000, s31;
	s1 =	sadd.s32 s1, s30  }
0xbd: {  	s0 =	sor.u32 s3, s0;
	s1 =	sshll.u32 s1, $0x11  }
0xbe: {  	s0 =	sor.u32 s1, s0  }
0xbf: {  	s0 =	sadd.s32 $0x8F2B, s0  }
0xc0: {  	[sflag:s0] =	ssyncadd.remote.s32 $0x1  }
0xc1: {  	_ =	sfence.sel $0xFFFF  }
0xc2: {  	[dreg:$0x0] =	wrdreg $0xFFFFFFFF;
	(pc) =	sbr.abs _section_cstart, $3  }
0xc3: {  	[dreg:$0x1] =	wrdreg $0xFFFFFFFF  }
0xc4: {  	_ =	task.clear_ibuf [dreg:s8], $0x2FFFF;
	_ =	strace $0x9FFFFFFF  }
0xc5: {  	(tm) =	ssettm $0x7FFFFFFF  }
tec
execute0_lowered:
.L_overlay_start_1:
0x0: {  	(tag) =	ssettag $0x1  }
0x1: {  	s0 =	rddreg [dreg:$0x0];
	s1 =	srdreg.scid  }
0x2: {  	s2 =	rddreg [dreg:$0x1];
	s5 =	simm.s32 $0x0;
	s14 =	stileid.u32  }
0x3: {  	s28 =	simm.s32 $0x2600;
	s29 =	simm.s32 $0x2680;
	s30 =	simm.s32 $0x2700  }
0x4: {  	s1 =	sand.u32 $0x1, s1;
	[smem:$0x7FF] =	sst s5;
	s6 =	smul.u32 $0x14000, s14  }
0x5: {  	s7 =	sadd.s32 $0x14E00, s2;
	s12 =	sshll.u32 s14, $0x1;
	s3 =	ssub.s32 $0x2, s1  }
0x6: {  	s4 =	smul.u32 $0x140000, s1;
	s1 =	sor.u32 s1, s12;
	s11 =	sshrl.u32 s3, $0x1  }
0x7: {  	s8 =	sor.u32 $0x2000, s6;
	s10 =	sadd.s32 $0x4000, s6;
	s12 =	sadd.s32 $0x8000, s6  }
0x8: {  	s3 =	ssub.s32 s3, s11;
	s13 =	sadd.s32 s4, s6;
	s9 =	sadd.s32 s4, s8  }
0x9: {  	s16 =	sadd.s32 s4, s10;
	s11 =	sadd.s32 s4, s12;
	s5 =	sshrl.u32 s13, $0x3  }
0xa: {  	s15 =	sshrl.u32 s9, $0x3;
	s17 =	sshrl.u32 s16, $0x3;
	s9 =	sadd.s32 $0x6000, s6  }
0xb: {  	s13 =	sadd.s32 $0xA000, s6;
	s19 =	sshrl.u32 s11, $0x3;
	s11 =	rddreg [dreg:$0x2]  }
0xc: {  	s16 =	smul.u32 $0x50000, s14;
	s14 =	rddreg [dreg:$0x3];
	s5 =	sadd.s32 s7, s5  }
0xd: {  	s18 =	sadd.s32 s4, s9;
	s20 =	sadd.s32 s4, s13;
	s8 =	sadd.s32 s8, s14  }
0xe: {  	s10 =	sadd.s32 s10, s14;
	[dreg:$0x5] =	wrdreg s5;
	s5 =	sadd.s32 s7, s15  }
0xf: {  	s21 =	sshrl.u32 s20, $0x3;
	[dreg:$0x6] =	wrdreg s5;
	s5 =	sadd.s32 s7, s17  }
0x10: {  	s20 =	sadd.s32 $0x10000, s6;
	[dreg:$0x7] =	wrdreg s5;
	s5 =	sshrl.u32 s18, $0x3  }
0x11: {  	s15 =	sadd.s32 $0xC000, s6;
	s25 =	sadd.s32 s4, s20;
	s5 =	sadd.s32 s7, s5  }
0x12: {  	s22 =	sadd.s32 s4, s15;
	s26 =	sshrl.u32 s25, $0x3;
	[dreg:$0x8] =	wrdreg s5  }
0x13: {  	s5 =	sadd.s32 s7, s19;
	s19 =	sadd.s32 $0xE000, s6;
	s6 =	sadd.s32 $0x12000, s6  }
0x14: {  	[dreg:$0x9] =	wrdreg s5;
	s5 =	sadd.s32 s7, s21;
	s23 =	sadd.s32 s4, s19  }
0x15: {  	s4 =	sadd.s32 s4, s6;
	[dreg:$0xa] =	wrdreg s5;
	s5 =	sshrl.u32 s22, $0x3  }
0x16: {  	s18 =	smul.u32 $0x5000, s1;
	s4 =	sshrl.u32 s4, $0x3;
	s5 =	sadd.s32 s7, s5  }
0x17: {  	s24 =	sshrl.u32 s23, $0x3;
	s4 =	sadd.s32 s7, s4;
	[dreg:$0xb] =	wrdreg s5  }
0x18: {  	s1 =	sshrl.u32 s8, $0x3;
	s5 =	sadd.s32 s7, s24;
	[dreg:$0xe] =	wrdreg s4  }
0x19: {  	s21 =	sadd.s32 s9, s14;
	[dreg:$0xc] =	wrdreg s5;
	s5 =	sadd.s32 s7, s26  }
0x1a: {  	s25 =	sadd.s32 s19, s14;
	s7 =	smax.u32 s3, $0x1;
	[dreg:$0xd] =	wrdreg s5  }
0x1b: {  	s5 =	sshrl.u32 s16, $0x2;
	_ =	strace $0x80000047;
	[dreg:$0xf] =	wrdreg s7  }
0x1c: {  	s16 =	sadd.s32 $0xE00, s2;
	s2 =	sshrl.u32 s10, $0x3;
	[dreg:$0x10] =	wrdreg s1  }
0x1d: {  	s22 =	sadd.s32 s12, s14;
	s3 =	sshrl.u32 s21, $0x3;
	[dreg:$0x11] =	wrdreg s2  }
0x1e: {  	s24 =	sadd.s32 s15, s14;
	s4 =	sshrl.u32 s22, $0x3;
	[dreg:$0x12] =	wrdreg s3  }
0x1f: {  	s6 =	sadd.s32 s6, s14;
	s10 =	sshrl.u32 s24, $0x3;
	[dreg:$0x13] =	wrdreg s4  }
0x20: {  	s12 =	sshrl.u32 s25, $0x3;
	s26 =	sadd.s32 s20, s14;
	[dreg:$0x15] =	wrdreg s10  }
0x21: {  	s23 =	sadd.s32 s13, s14;
	s13 =	sshrl.u32 s26, $0x3;
	[dreg:$0x16] =	wrdreg s12  }
0x22: {  	s31 =	simm.s32 $0x2780;
	s15 =	sshrl.u32 s6, $0x3;
	[dreg:$0x17] =	wrdreg s13  }
0x23: {  	s17 =	sadd.s32 s5, s14;
	s5 =	sshrl.u32 s23, $0x3;
	[dreg:$0x18] =	wrdreg s15  }
0x24: {  	s8 =	simm.s32 $0x5;
	[dreg:$0x14] =	wrdreg s5;
	s19 =	sadd.s32 $0x2000, s17  }
0x25: {  	s9 =	simm.s32 $0x1400;
	s20 =	sadd.s32 $0x4000, s17;
	[dreg:$0x19] =	wrdreg s19  }
0x26: {  	s7 =	simm.s32 $0x2800;
	s21 =	sadd.s32 $0x6000, s17;
	[dreg:$0x1a] =	wrdreg s20  }
0x27: {  	s10 =	simm.s32 $0x40;
	s22 =	sadd.s32 $0x8000, s17;
	[dreg:$0x1b] =	wrdreg s21  }
0x28: {  	s13 =	simm.s32 $0x80;
	s23 =	sadd.s32 $0xA000, s17;
	[dreg:$0x1c] =	wrdreg s22  }
0x29: {  	s15 =	simm.s32 $0x4800;
	s24 =	sadd.s32 $0xC000, s17;
	[dreg:$0x1d] =	wrdreg s23  }
0x2a: {  	s12 =	simm.s32 $0x0;
	s25 =	sadd.s32 $0xE000, s17;
	[dreg:$0x1e] =	wrdreg s24  }
0x2b: {  	s26 =	sadd.s32 $0x10000, s17;
	s6 =	sadd.s32 $0x12000, s17;
	[dreg:$0x1f] =	wrdreg s25  }
0x2c: {  	[smem:$0x7FD] =	sst s26;
	s19 =	simm.s32 $0x100;
	s20 =	simm.s32 $0x6800  }
0x2d: {  	s21 =	simm.s32 $0x1;
	s22 =	simm.s32 $0x8800;
	s23 =	simm.s32 $0x2  }
0x2e: {  	v0 =	vimm.f32 $0.0e+00;
	s24 =	simm.s32 $0x3;
	s25 =	simm.s32 $0x4;
	s26 =	simm.s32 $0x1380  }
.LBB2_1:
0x2f: {  	s2 =	simm.s32 $0x0  }
0x30: {  	s1 =	sand.u32 $0x7E00, s2  }
0x31: {  	s2 =	sand.u32 $0x70, s2;
	s3 =	sshrl.u32 s1, $0x2  }
0x32: {  	s1 =	simm.s32 $0x40;
	s3 =	sor.u32 s2, s3;
	s2 =	simm.s32 $0x0  }
.LBB2_2:
0x33: {  	p0 =	sne.s32 s1, $0x7FC0  }
0x34: {  	[tilespmem:s3+$0x2800] =	vst v0;
	s2 =	sadd.s32 $0x10, s2;
	s3 =	smov.u32 s1;
	s1 =	sadd.s32 $0x40, s1  }
.Ltmp0:
0x35: {  	(pc) =	sbr.rel @p0 .LBB2_2-.Ltmp0, $4  }
0x36: {  	_ = 	snop  }
0x37: {  	s3 =	sand.u32 $0x7E00, s3  }
0x38: {  	s4 =	sand.u32 $0x70, s2;
	s3 =	sshrl.u32 s3, $0x2  }
0x39: {  	s3 =	sor.u32 s4, s3  }
0x3a: {  	[tilespmem:s3+$0x2800] =	vst v0  }
0x3b: {  	[spmem:s17] =	stream.linear.scatter [tilespmem:s7], [sflag:$0x5], $0x2000, $0x38;
	[tilespmem:$0x1E800] =	vst v63  }
0x3c: {  	_ =	swait.ge [sflag:s8], $0x2000  }
0x3d: {  	[sflag:s8] =	ssyncset.done $0x0  }
0x3e: {  	s1 =	rddreg [dreg:$0x19];
	[sflag:s8] =	ssyncadd.s32 $0xFFFFE000  }
0x3f: {  	[spmem:s1] =	stream.linear.scatter [tilespmem:s7], [sflag:$0x5], $0x2000, $0x38;
	[tilespmem:$0x1E800] =	vst v63  }
0x40: {  	_ =	swait.ge [sflag:s8], $0x2000  }
0x41: {  	[sflag:s8] =	ssyncset.done $0x0  }
0x42: {  	s3 =	rddreg [dreg:$0x1a];
	[sflag:s8] =	ssyncadd.s32 $0xFFFFE000  }
0x43: {  	[spmem:s3] =	stream.linear.scatter [tilespmem:s7], [sflag:$0x5], $0x2000, $0x38;
	[tilespmem:$0x1E800] =	vst v63  }
0x44: {  	_ =	swait.ge [sflag:s8], $0x2000  }
0x45: {  	[sflag:s8] =	ssyncset.done $0x0  }
0x46: {  	s4 =	rddreg [dreg:$0x1b];
	[sflag:s8] =	ssyncadd.s32 $0xFFFFE000  }
0x47: {  	[spmem:s4] =	stream.linear.scatter [tilespmem:s7], [sflag:$0x5], $0x2000, $0x38;
	[tilespmem:$0x1E800] =	vst v63  }
0x48: {  	_ =	swait.ge [sflag:s8], $0x2000  }
0x49: {  	[sflag:s8] =	ssyncset.done $0x0  }
0x4a: {  	s5 =	rddreg [dreg:$0x1c];
	[sflag:s8] =	ssyncadd.s32 $0xFFFFE000  }
0x4b: {  	[spmem:s5] =	stream.linear.scatter [tilespmem:s7], [sflag:$0x5], $0x2000, $0x38;
	[tilespmem:$0x1E800] =	vst v63  }
0x4c: {  	_ =	swait.ge [sflag:s8], $0x2000  }
0x4d: {  	[sflag:s8] =	ssyncset.done $0x0  }
0x4e: {  	s2 =	rddreg [dreg:$0x1d];
	[sflag:s8] =	ssyncadd.s32 $0xFFFFE000  }
0x4f: {  	[spmem:s2] =	stream.linear.scatter [tilespmem:s7], [sflag:$0x5], $0x2000, $0x38;
	[tilespmem:$0x1E800] =	vst v63  }
0x50: {  	_ =	swait.ge [sflag:s8], $0x2000  }
0x51: {  	[sflag:s8] =	ssyncset.done $0x0  }
0x52: {  	s3 =	rddreg [dreg:$0x1e];
	[sflag:s8] =	ssyncadd.s32 $0xFFFFE000  }
0x53: {  	[spmem:s3] =	stream.linear.scatter [tilespmem:s7], [sflag:$0x5], $0x2000, $0x38;
	[tilespmem:$0x1E800] =	vst v63  }
0x54: {  	_ =	swait.ge [sflag:s8], $0x2000  }
0x55: {  	[sflag:s8] =	ssyncset.done $0x0  }
0x56: {  	s4 =	rddreg [dreg:$0x1f];
	[sflag:s8] =	ssyncadd.s32 $0xFFFFE000  }
0x57: {  	[spmem:s4] =	stream.linear.scatter [tilespmem:s7], [sflag:$0x5], $0x2000, $0x38;
	[tilespmem:$0x1E800] =	vst v63  }
0x58: {  	_ =	swait.ge [sflag:s8], $0x2000  }
0x59: {  	s5 =	sld [smem:$0x7FD]  }
0x5a: {  	[sflag:s8] =	ssyncset.done $0x0  }
0x5b: {  	[sflag:s8] =	ssyncadd.s32 $0xFFFFE000  }
0x5c: {  	[spmem:s5] =	stream.linear.scatter [tilespmem:s7], [sflag:$0x5], $0x2000, $0x38;
	[tilespmem:$0x1E800] =	vst v63  }
0x5d: {  	_ =	swait.ge [sflag:s8], $0x2000  }
0x5e: {  	[sflag:s8] =	ssyncset.done $0x0  }
0x5f: {  	[sflag:s8] =	ssyncadd.s32 $0xFFFFE000  }
0x60: {  	[spmem:s6] =	stream.linear.scatter [tilespmem:s7], [sflag:$0x5], $0x2000, $0x38;
	[tilespmem:$0x1E800] =	vst v63  }
0x61: {  	_ =	swait.ge [sflag:s8], $0x2000  }
0x62: {  	[sflag:s8] =	ssyncset.done $0x0  }
0x63: {  	[sflag:s8] =	ssyncadd.s32 $0xFFFFE000  }
0x64: {  	s1 =	simm.s32 $0x0;
	s2 =	simm.s32 $0x0;
	[bflag:$0x0] =	sbarrier.arrive $0xFFFF  }
.LBB2_4:
0x65: {  	s3 =	smul.u32 $0x1400, s2;
	_ =	sdelay $0x1  }
0x66: {  	s3 =	sadd.s32 s18, s3  }
0x67: {  	s3 =	sshrl.u32 s3, $0x3  }
0x68: {  	s4 =	sadd.s32 s0, s3  }
0x69: {  	[tilespmem:s1], [sflag:$0x5] =	stream.linear.gather [hbm4b:s4+s1], $0x1400, $0x38;
	[tilespmem:$0x1E800] =	vst v63  }
0x6a: {  	_ =	swait.ge [sflag:s8], $0x1400  }
0x6b: {  	[sflag:s8] =	ssyncset.done $0x0  }
0x6c: {  	s3 =	sadd.s32 s16, s3;
	[sflag:s8] =	ssyncadd.s32 $0xFFFFEC00  }
0x6d: {  	[tilespmem:s9], [sflag:$0x5] =	stream.linear.gather [hbm4b:s3+s1], $0x1400, $0x38;
	[tilespmem:$0x1E800] =	vst v63  }
0x6e: {  	_ =	swait.ge [sflag:s8], $0x1400  }
0x6f: {  	[sflag:s8] =	ssyncset.done $0x0  }
0x70: {  	[sflag:s8] =	ssyncadd.s32 $0xFFFFEC00  }
0x71: {  	[tilespmem:s7], [sflag:$0x1] =	stream.indirect.gather [hbm4b:s11+s10], $0x80, s1, s10, $0xb8;
	[tilespmem:$0x1E800] =	vst v63  }
0x72: {  	_ = 	snop  }
0x73: {  	[tilespmem:s15], [sflag:$0x2] =	stream.indirect.gather [hbm4b:s11+s10], $0x80, s13, s10, $0xb8;
	[tilespmem:$0x1E800] =	vst v63  }
0x74: {  	_ = 	snop  }
0x75: {  	[tilespmem:s20], [sflag:$0x3] =	stream.indirect.gather [hbm4b:s11+s10], $0x80, s19, s10, $0xb8;
	[tilespmem:$0x1E800] =	vst v63  }
0x76: {  	_ =	swait.ge [sflag:s21], $0x2000  }
0x77: {  	[sflag:s21] =	ssyncset.done $0x0  }
0x78: {  	s4 =	simm.s32 $0x180;
	[sflag:s21] =	ssyncadd.s32 $0xFFFFE000  }
0x79: {  	[tilespmem:s22], [sflag:$0x4] =	stream.indirect.gather [hbm4b:s11+s10], $0x80, s4, s10, $0xb8;
	[tilespmem:$0x1E800] =	vst v63  }
0x7a: {  	s5 =	simm.s32 $0x1400  }
0x7b: {  	[spmem:s14] =	stream.indirect.scatter.add.f32 [tilespmem:s7], [sflag:$0x5], $0x80, s5, s10, $0xb8;
	[tilespmem:$0x1E800] =	vst v63  }
0x7c: {  	_ =	swait.ge [sflag:s8], $0x2000  }
0x7d: {  	[sflag:s8] =	ssyncset.done $0x0  }
0x7e: {  	[sflag:s8] =	ssyncadd.s32 $0xFFFFE000  }
0x7f: {  	_ =	swait.ge [sflag:s23], $0x2000  }
0x80: {  	[sflag:s23] =	ssyncset.done $0x0  }
0x81: {  	s4 =	simm.s32 $0x200;
	[sflag:s23] =	ssyncadd.s32 $0xFFFFE000  }
0x82: {  	[tilespmem:s7], [sflag:$0x1] =	stream.indirect.gather [hbm4b:s11+s10], $0x80, s4, s10, $0xb8;
	[tilespmem:$0x1E800] =	vst v63  }
0x83: {  	s5 =	simm.s32 $0x1480  }
0x84: {  	[spmem:s14] =	stream.indirect.scatter.add.f32 [tilespmem:s15], [sflag:$0x5], $0x80, s5, s10, $0xb8;
	[tilespmem:$0x1E800] =	vst v63  }
0x85: {  	_ =	swait.ge [sflag:s8], $0x2000  }
0x86: {  	[sflag:s8] =	ssyncset.done $0x0  }
0x87: {  	[sflag:s8] =	ssyncadd.s32 $0xFFFFE000  }
0x88: {  	_ =	swait.ge [sflag:s24], $0x2000  }
0x89: {  	[sflag:s24] =	ssyncset.done $0x0  }
0x8a: {  	s4 =	simm.s32 $0x280;
	[sflag:s24] =	ssyncadd.s32 $0xFFFFE000  }
0x8b: {  	[tilespmem:s15], [sflag:$0x2] =	stream.indirect.gather [hbm4b:s11+s10], $0x80, s4, s10, $0xb8;
	[tilespmem:$0x1E800] =	vst v63  }
0x8c: {  	s5 =	simm.s32 $0x1500  }
0x8d: {  	[spmem:s14] =	stream.indirect.scatter.add.f32 [tilespmem:s20], [sflag:$0x5], $0x80, s5, s10, $0xb8;
	[tilespmem:$0x1E800] =	vst v63  }
0x8e: {  	_ =	swait.ge [sflag:s8], $0x2000  }
0x8f: {  	[sflag:s8] =	ssyncset.done $0x0  }
0x90: {  	[sflag:s8] =	ssyncadd.s32 $0xFFFFE000  }
0x91: {  	_ =	swait.ge [sflag:s25], $0x2000  }
0x92: {  	[sflag:s25] =	ssyncset.done $0x0  }
0x93: {  	s4 =	simm.s32 $0x300;
	[sflag:s25] =	ssyncadd.s32 $0xFFFFE000  }
0x94: {  	[tilespmem:s20], [sflag:$0x3] =	stream.indirect.gather [hbm4b:s11+s10], $0x80, s4, s10, $0xb8;
	[tilespmem:$0x1E800] =	vst v63  }
0x95: {  	s5 =	simm.s32 $0x1580  }
0x96: {  	[spmem:s14] =	stream.indirect.scatter.add.f32 [tilespmem:s22], [sflag:$0x5], $0x80, s5, s10, $0xb8;
	[tilespmem:$0x1E800] =	vst v63  }
0x97: {  	_ =	swait.ge [sflag:s8], $0x2000  }
0x98: {  	s3 =	simm.s32 $0x800;
	[sflag:s8] =	ssyncset.done $0x0  }
.LBB2_5:
0x99: {  	p0 =	sne.s32 s3, $0x4000  }
0x9a: {  	[sflag:s8] =	ssyncadd.s32 $0xFFFFE000;
	s4 =	smov.u32 s3;
	s3 =	sadd.s32 $0x800, s3  }
0x9b: {  	_ = 	snop  }
0x9c: {  	_ =	swait.ge [sflag:s21], $0x2000  }
0x9d: {  	s4 =	sshra.s32 s4, $0x2;
	[sflag:s21] =	ssyncset.done $0x0  }
0x9e: {  	s5 =	sadd.s32 $0x180, s4;
	[sflag:s21] =	ssyncadd.s32 $0xFFFFE000  }
0x9f: {  	[tilespmem:s22], [sflag:$0x4] =	stream.indirect.gather [hbm4b:s11+s10], $0x80, s5, s10, $0xb8;
	[tilespmem:$0x1E800] =	vst v63  }
0xa0: {  	s5 =	sadd.s32 $0x1400, s4  }
0xa1: {  	[spmem:s14] =	stream.indirect.scatter.add.f32 [tilespmem:s7], [sflag:$0x5], $0x80, s5, s10, $0xb8;
	[tilespmem:$0x1E800] =	vst v63  }
0xa2: {  	_ =	swait.ge [sflag:s8], $0x2000  }
0xa3: {  	[sflag:s8] =	ssyncset.done $0x0  }
0xa4: {  	[sflag:s8] =	ssyncadd.s32 $0xFFFFE000  }
0xa5: {  	_ =	swait.ge [sflag:s23], $0x2000  }
0xa6: {  	[sflag:s23] =	ssyncset.done $0x0  }
0xa7: {  	s5 =	sadd.s32 $0x200, s4;
	[sflag:s23] =	ssyncadd.s32 $0xFFFFE000  }
0xa8: {  	[tilespmem:s7], [sflag:$0x1] =	stream.indirect.gather [hbm4b:s11+s10], $0x80, s5, s10, $0xb8;
	[tilespmem:$0x1E800] =	vst v63  }
0xa9: {  	s5 =	sadd.s32 $0x1480, s4  }
0xaa: {  	[spmem:s14] =	stream.indirect.scatter.add.f32 [tilespmem:s15], [sflag:$0x5], $0x80, s5, s10, $0xb8;
	[tilespmem:$0x1E800] =	vst v63  }
0xab: {  	_ =	swait.ge [sflag:s8], $0x2000  }
0xac: {  	[sflag:s8] =	ssyncset.done $0x0  }
0xad: {  	[sflag:s8] =	ssyncadd.s32 $0xFFFFE000  }
0xae: {  	_ =	swait.ge [sflag:s24], $0x2000  }
0xaf: {  	[sflag:s24] =	ssyncset.done $0x0  }
0xb0: {  	s5 =	sadd.s32 $0x280, s4;
	[sflag:s24] =	ssyncadd.s32 $0xFFFFE000  }
0xb1: {  	[tilespmem:s15], [sflag:$0x2] =	stream.indirect.gather [hbm4b:s11+s10], $0x80, s5, s10, $0xb8;
	[tilespmem:$0x1E800] =	vst v63  }
0xb2: {  	s5 =	sadd.s32 $0x1500, s4  }
0xb3: {  	[spmem:s14] =	stream.indirect.scatter.add.f32 [tilespmem:s20], [sflag:$0x5], $0x80, s5, s10, $0xb8;
	[tilespmem:$0x1E800] =	vst v63  }
0xb4: {  	_ =	swait.ge [sflag:s8], $0x2000  }
0xb5: {  	[sflag:s8] =	ssyncset.done $0x0  }
0xb6: {  	[sflag:s8] =	ssyncadd.s32 $0xFFFFE000  }
0xb7: {  	_ =	swait.ge [sflag:s25], $0x2000  }
0xb8: {  	[sflag:s25] =	ssyncset.done $0x0  }
0xb9: {  	s5 =	sadd.s32 $0x300, s4;
	[sflag:s25] =	ssyncadd.s32 $0xFFFFE000  }
0xba: {  	[tilespmem:s20], [sflag:$0x3] =	stream.indirect.gather [hbm4b:s11+s10], $0x80, s5, s10, $0xb8;
	[tilespmem:$0x1E800] =	vst v63  }
.Ltmp1:
0xbb: {  	_ = 	snop;
	(pc) =	sbr.rel @p0 .LBB2_5-.Ltmp1, $4  }
0xbc: {  	s4 =	sadd.s32 $0x1580, s4  }
0xbd: {  	[spmem:s14] =	stream.indirect.scatter.add.f32 [tilespmem:s22], [sflag:$0x5], $0x80, s4, s10, $0xb8;
	[tilespmem:$0x1E800] =	vst v63  }
0xbe: {  	_ =	swait.ge [sflag:s8], $0x2000  }
0xbf: {  	[sflag:s8] =	ssyncset.done $0x0  }
0xc0: {  	[sflag:s8] =	ssyncadd.s32 $0xFFFFE000  }
0xc1: {  	_ =	swait.ge [sflag:s21], $0x2000  }
0xc2: {  	[sflag:s21] =	ssyncset.done $0x0  }
0xc3: {  	[sflag:s21] =	ssyncadd.s32 $0xFFFFE000  }
0xc4: {  	[tilespmem:s22], [sflag:$0x4] =	stream.indirect.gather [hbm4b:s11+s10], $0x80, s26, s10, $0xb8;
	[tilespmem:$0x1E800] =	vst v63  }
0xc5: {  	_ = 	snop  }
0xc6: {  	[spmem:s14] =	stream.indirect.scatter.add.f32 [tilespmem:s7], [sflag:$0x5], $0x80, s28, s10, $0xb8;
	[tilespmem:$0x1E800] =	vst v63  }
0xc7: {  	_ =	swait.ge [sflag:s8], $0x2000  }
0xc8: {  	[sflag:s8] =	ssyncset.done $0x0  }
0xc9: {  	[sflag:s8] =	ssyncadd.s32 $0xFFFFE000  }
0xca: {  	_ =	swait.ge [sflag:s23], $0x2000  }
0xcb: {  	[sflag:s23] =	ssyncset.done $0x0  }
0xcc: {  	[sflag:s23] =	ssyncadd.s32 $0xFFFFE000  }
0xcd: {  	[spmem:s14] =	stream.indirect.scatter.add.f32 [tilespmem:s15], [sflag:$0x5], $0x80, s29, s10, $0xb8;
	[tilespmem:$0x1E800] =	vst v63  }
0xce: {  	_ =	swait.ge [sflag:s8], $0x2000  }
0xcf: {  	[sflag:s8] =	ssyncset.done $0x0  }
0xd0: {  	[sflag:s8] =	ssyncadd.s32 $0xFFFFE000  }
0xd1: {  	_ =	swait.ge [sflag:s24], $0x2000  }
0xd2: {  	[sflag:s24] =	ssyncset.done $0x0  }
0xd3: {  	[sflag:s24] =	ssyncadd.s32 $0xFFFFE000  }
0xd4: {  	[spmem:s14] =	stream.indirect.scatter.add.f32 [tilespmem:s20], [sflag:$0x5], $0x80, s30, s10, $0xb8;
	[tilespmem:$0x1E800] =	vst v63  }
0xd5: {  	_ =	swait.ge [sflag:s8], $0x2000  }
0xd6: {  	[sflag:s8] =	ssyncset.done $0x0  }
0xd7: {  	[sflag:s8] =	ssyncadd.s32 $0xFFFFE000  }
0xd8: {  	s2 =	sadd.s32 $0x1, s2;
	_ =	swait.ge [sflag:s25], $0x2000  }
0xd9: {  	p0 =	sne.s32 s2, $0x4;
	[sflag:s25] =	ssyncset.done $0x0  }
.Ltmp2:
0xda: {  	[sflag:s25] =	ssyncadd.s32 $0xFFFFE000;
	(pc) =	sbr.rel @p0 .LBB2_4-.Ltmp2, $4  }
0xdb: {  	[spmem:s14] =	stream.indirect.scatter.add.f32 [tilespmem:s22], [sflag:$0x5], $0x80, s31, s10, $0xb8;
	[tilespmem:$0x1E800] =	vst v63  }
0xdc: {  	_ =	swait.ge [sflag:s8], $0x2000  }
0xdd: {  	[sflag:s8] =	ssyncset.done $0x0  }
0xde: {  	[sflag:s8] =	ssyncadd.s32 $0xFFFFE000  }
0xdf: {  	s1 =	stileid.u32  }
0xe0: {  	[bflag:$0x0] =	sbarrier.arrive $0xFFFF;
	s1 =	sshll.u32 s1, $0x6  }
0xe1: {  	s2 =	sshrl.u32 s17, $0x3;
	s3 =	rddreg [dreg:$0x5];
	s1 =	sor.u32 $0x1C05, s1  }
0xe2: {  	[hbm:s3], [sflag:s1] =	dma.local [spmem:s2], $0x400  }
0xe3: {  	_ =	swait.ge [sflag:s8], $0x400  }
0xe4: {  	[sflag:s8] =	ssyncset.done $0x0;
	s4 =	rddreg [dreg:$0x6]  }
0xe5: {  	s5 =	rddreg [dreg:$0x10];
	[sflag:s8] =	ssyncadd.s32 $0xFFFFFC00  }
0xe6: {  	[hbm:s4], [sflag:s1] =	dma.local [spmem:s5], $0x400  }
0xe7: {  	_ =	swait.ge [sflag:s8], $0x400  }
0xe8: {  	[sflag:s8] =	ssyncset.done $0x0;
	s4 =	rddreg [dreg:$0x7]  }
0xe9: {  	s5 =	rddreg [dreg:$0x11];
	[sflag:s8] =	ssyncadd.s32 $0xFFFFFC00  }
0xea: {  	[hbm:s4], [sflag:s1] =	dma.local [spmem:s5], $0x400  }
0xeb: {  	_ =	swait.ge [sflag:s8], $0x400  }
0xec: {  	[sflag:s8] =	ssyncset.done $0x0;
	s4 =	rddreg [dreg:$0x8]  }
0xed: {  	s5 =	rddreg [dreg:$0x12];
	[sflag:s8] =	ssyncadd.s32 $0xFFFFFC00  }
0xee: {  	[hbm:s4], [sflag:s1] =	dma.local [spmem:s5], $0x400  }
0xef: {  	_ =	swait.ge [sflag:s8], $0x400  }
0xf0: {  	[sflag:s8] =	ssyncset.done $0x0;
	s4 =	rddreg [dreg:$0x9]  }
0xf1: {  	s5 =	rddreg [dreg:$0x13];
	[sflag:s8] =	ssyncadd.s32 $0xFFFFFC00  }
0xf2: {  	[hbm:s4], [sflag:s1] =	dma.local [spmem:s5], $0x400  }
0xf3: {  	_ =	swait.ge [sflag:s8], $0x400  }
0xf4: {  	[sflag:s8] =	ssyncset.done $0x0;
	s4 =	rddreg [dreg:$0xa]  }
0xf5: {  	s5 =	rddreg [dreg:$0x14];
	[sflag:s8] =	ssyncadd.s32 $0xFFFFFC00  }
0xf6: {  	[hbm:s4], [sflag:s1] =	dma.local [spmem:s5], $0x400  }
0xf7: {  	_ =	swait.ge [sflag:s8], $0x400  }
0xf8: {  	[sflag:s8] =	ssyncset.done $0x0;
	s4 =	rddreg [dreg:$0xb]  }
0xf9: {  	s5 =	rddreg [dreg:$0x15];
	[sflag:s8] =	ssyncadd.s32 $0xFFFFFC00  }
0xfa: {  	[hbm:s4], [sflag:s1] =	dma.local [spmem:s5], $0x400  }
0xfb: {  	_ =	swait.ge [sflag:s8], $0x400  }
0xfc: {  	[sflag:s8] =	ssyncset.done $0x0;
	s4 =	rddreg [dreg:$0xc]  }
0xfd: {  	s5 =	rddreg [dreg:$0x16];
	[sflag:s8] =	ssyncadd.s32 $0xFFFFFC00  }
0xfe: {  	[hbm:s4], [sflag:s1] =	dma.local [spmem:s5], $0x400  }
0xff: {  	_ =	swait.ge [sflag:s8], $0x400  }
0x100: {  	[sflag:s8] =	ssyncset.done $0x0;
	s4 =	rddreg [dreg:$0xd]  }
0x101: {  	s5 =	rddreg [dreg:$0x17];
	[sflag:s8] =	ssyncadd.s32 $0xFFFFFC00  }
0x102: {  	[hbm:s4], [sflag:s1] =	dma.local [spmem:s5], $0x400  }
0x103: {  	_ =	swait.ge [sflag:s8], $0x400  }
0x104: {  	[sflag:s8] =	ssyncset.done $0x0;
	s3 =	rddreg [dreg:$0xe]  }
0x105: {  	s4 =	rddreg [dreg:$0x18];
	[sflag:s8] =	ssyncadd.s32 $0xFFFFFC00  }
0x106: {  	[hbm:s3], [sflag:s1] =	dma.local [spmem:s4], $0x400  }
0x107: {  	_ =	swait.ge [sflag:s8], $0x400  }
0x108: {  	s12 =	sadd.s32 $0x1, s12;
	s5 =	rddreg [dreg:$0xf]  }
0x109: {  	p0 =	sne.s32 s12, s5  }
.Ltmp3:
0x10a: {  	_ = 	snop;
	(pc) =	sbr.rel @p0 .LBB2_1-.Ltmp3, $3  }
0x10b: {  	_ =	sdelay $0x1  }
0x10c: {  	[sflag:s8] =	ssyncset.done $0x0  }
0x10d: {  	[sflag:s8] =	ssyncadd.s32 $0xFFFFFC00  }
0x10e: {  	_ =	sfence.sel $0x180000  }
0x10f: {  	[bflag:$0x0] =	sbarrier.arrive $0xFFFF  }
0x110: {  	_ =	strace $0x90000047  }
0x111: {  	s0 =	stileid.u32;
	[bflag:$0x2] =	sbarrier.arrive $0xFFFF  }
0x112: {  	p0 =	sne.s32 s0, $0x0;
	s0 =	rddreg [dreg:$0x4]  }
0x113: {  	s0 =	sadd.s32 @!p0 $0x100000, s0  }
0x114: {  	[sflag:s0] =	ssyncadd.tile.s32 @!p0 $0x1;
	_ =	shalt  }
.Lfunc_end2:
_tile_overlayer_lowered:
.L_overlay_start_2:
0x115: {  	(tag) =	ssettag $0x2  }
0x116: {  	s0 =	rddreg [dreg:$0x0];
	s2 =	stileid.u32  }
0x117: {  	s1 =	rddreg [dreg:$0x1];
	p0 =	sne.s32 s2, $0x0  }
0x118: {  	s3 =	rddreg [dreg:$0x2];
	[bflag:$0x3] =	sbarrier.arrive $0xFFFF;
	s2 =	simm.s32 @!p0 $0x1C05  }
0x119: {  	[timem:s3], [sflag:s2] =	dma.local @!p0 [hbm:s0], s1  }
0x11a: {  	s0 =	simm.s32 @!p0 $0x5  }
0x11b: {  	_ =	swait.ge @!p0 [sflag:s0], s1  }
0x11c: {  	s1 =	ssub.s32 @!p0 $0x0, s1;
	[sflag:s0] =	ssyncset.done @!p0 $0x0  }
0x11d: {  	[sflag:s0] =	ssyncadd.s32 @!p0 s1  }
0x11e: {  	[bflag:$0x3] =	sbarrier.arrive $0xFFFF  }
0x11f: {  	_ =	shalt  }

</sc_bundles>
